<compile_context>
chip_gen: v7x
topology: tpu7x:2x2x1
jax: 0.10.2.dev20260603
libtpu: 0.0.44.dev20260713+nightly
codegen_flags: <defaults>
</compile_context>

<pallas_src>
import functools

import jax
import jax.numpy as jnp
from jax import lax
from jax.experimental import pallas as pl
from jax.experimental.pallas import tpu as pltpu
from jax.experimental.pallas import tpu_sc as plsc

_NC = 2
_NS = 16
_NW = _NC * _NS

_D = 32
_B = 16384 * 26
_B_PER_W = _B // _NW
_CHUNK = 1024
_N_CHUNKS = _B_PER_W // _CHUNK
_NBUF = 3


@functools.partial(
    pl.kernel,
    out_type=jax.ShapeDtypeStruct((_B, _D), jnp.float32),
    mesh=plsc.VectorSubcoreMesh(core_axis_name="c", subcore_axis_name="s"),
    scratch_types=[
        pltpu.VMEM((_B_PER_W,), jnp.int32),
        pltpu.VMEM((_NBUF, _CHUNK, _D), jnp.float32),
        [pltpu.SemaphoreType.DMA] * _NBUF,
        [pltpu.SemaphoreType.DMA] * _NBUF,
        pltpu.SemaphoreType.DMA,
    ],
    compiler_params=pltpu.CompilerParams(use_tc_tiling_on_sc=False),
)
def _lookup(idx_hbm, table_hbm, out_hbm, idx_all, rows, sg, ss, si):
    wid = lax.axis_index("s") * _NC + lax.axis_index("c")
    base = wid * _B_PER_W

    pltpu.sync_copy(idx_hbm.at[pl.ds(base, _CHUNK)],
                    idx_all.at[pl.ds(0, _CHUNK)])
    idx_rest = pltpu.async_copy(
        idx_hbm.at[pl.ds(base + _CHUNK, _B_PER_W - _CHUNK)],
        idx_all.at[pl.ds(_CHUNK, _B_PER_W - _CHUNK)], si)

    def start_gather(i, b):
        return pltpu.async_copy(
            table_hbm.at[idx_all.at[pl.ds(i * _CHUNK, _CHUNK)]],
            rows.at[b], sg[b])

    def start_store(i, b):
        return pltpu.async_copy(
            rows.at[b], out_hbm.at[pl.ds(base + i * _CHUNK, _CHUNK)], ss[b])

    g = {0: start_gather(0, 0)}
    idx_rest.wait()
    s = {}
    for i in range(1, min(_NBUF, _N_CHUNKS)):
        g[i] = start_gather(i, i % _NBUF)
    for i in range(_N_CHUNKS):
        b = i % _NBUF
        g[i].wait()
        s[i] = start_store(i, b)
        if i + _NBUF < _N_CHUNKS:
            s[i].wait()
            g[i + _NBUF] = start_gather(i + _NBUF, b)
    for i in range(max(0, _N_CHUNKS - _NBUF), _N_CHUNKS):
        s[i].wait()


def kernel(ids, table):
    idx = ids.reshape(-1).astype(jnp.int32)
    out = _lookup(idx, table)
    return out.reshape(ids.shape + (table.shape[1],))

# --- scband reference (transcript-rebuilt; emitter-appended) ---
"""Pipeline reference for scband-lookup-layer-31911607009405 (READ-ONLY COPY).

The authoritative reference and input builder live on the scoring server;
editing this copy changes nothing except your own understanding.
"""

import jax, jax.numpy as jnp
import numpy as np

VOCAB = 1000000
EMB_DIM = 32
BATCH = 16384
FIELDS = 26


def setup_inputs(seed: int = 0) -> dict:
    key = jax.random.key(seed)
    k_ids, k_table = jax.random.split(key)
    ids = jax.random.randint(k_ids, (BATCH, FIELDS), 0, VOCAB, dtype=jnp.int64)
    table = jax.random.normal(k_table, (VOCAB, EMB_DIM), dtype=jnp.float32) * 0.01
    return {"ids": ids, "table": table}


def reference(ids, table):
    # Equivalent of hps.LookupLayer / tf.nn.embedding_lookup with max_norm=None.
    # Output shape: ids.shape + (emb_vec_size,)
    emb_vector = jnp.take(table, ids, axis=0)
    return emb_vector

if __name__ == "__main__":
    import jax
    _d = setup_inputs()
    print(jax.jit(kernel)(*tuple(_d.values())))

</pallas_src>

<mosaic_0001>
#map = affine_map<(d0, d1) -> (0)>
#map1 = affine_map<(d0, d1) -> (0, 0)>
module attributes {stable_mosaic.version = 14 : i64} {
  func.func @_lookup(%arg0: i32, %arg1: i32, %arg2: memref<425984xi32, #tpu.memory_space<hbm>>, %arg3: memref<1000000x32xf32, #tpu.memory_space<hbm>>, %arg4: memref<425984x32xf32, #tpu.memory_space<hbm>>, %arg5: memref<13312xi32, #tpu.memory_space<vmem>>, %arg6: memref<3x1024x32xf32, #tpu.memory_space<vmem>>, %arg7: memref<!tpu.dma_semaphore, #tpu.memory_space<semaphore_mem>>, %arg8: memref<!tpu.dma_semaphore, #tpu.memory_space<semaphore_mem>>, %arg9: memref<!tpu.dma_semaphore, #tpu.memory_space<semaphore_mem>>, %arg10: memref<!tpu.dma_semaphore, #tpu.memory_space<semaphore_mem>>, %arg11: memref<!tpu.dma_semaphore, #tpu.memory_space<semaphore_mem>>, %arg12: memref<!tpu.dma_semaphore, #tpu.memory_space<semaphore_mem>>, %arg13: memref<!tpu.dma_semaphore, #tpu.memory_space<semaphore_mem>>) attributes {dimension_semantics = [#tpu.dimension_semantics<core_parallel>, #tpu.dimension_semantics<subcore_parallel>], iteration_bounds = array<i64: 2, 16>, scalar_prefetch = 0 : i64, scratch_operands = 9 : i64, tpu.core_type = #tpu.core_type<sc_vector_subcore>, window_params = [{transform_indices = #map}, {transform_indices = #map1}, {transform_indices = #map1}]} {
    %mul3A = arith.constant 2 : i32
    %mul3A_0 = arith.muli %arg1, %mul3A : i32
    %add3A = arith.addi %mul3A_0, %arg0 : i32
    %mul3A_1 = arith.constant 13312 : i32
    %mul3A_2 = arith.muli %add3A, %mul3A_1 : i32
    "tpu.region"() ({
      %run_scoped3A = tpu.sem_alloc : memref<!tpu.dma_semaphore, #tpu.memory_space<semaphore_mem>>
      %dma_start3A_639 = arith.constant 0 : i32
      %dma_start3A_640 = tpu.memref_slice %arg5[%dma_start3A_639] : memref<13312xi32, #tpu.memory_space<vmem>> -> memref<1024xi32, #tpu.memory_space<vmem>>
      %dma_start3A_641 = tpu.memref_slice %arg2[%mul3A_2] : memref<425984xi32, #tpu.memory_space<hbm>> -> memref<1024xi32, #tpu.memory_space<hbm>>
      %dma_start3A_642 = arith.constant 0 : i32
      %dma_start3A_643 = tpu.memref_slice %arg5[%dma_start3A_642] : memref<13312xi32, #tpu.memory_space<vmem>> -> memref<1024xi32, #tpu.memory_space<vmem>>
      %dma_start3A_644 = tpu.memref_slice %arg2[%mul3A_2] : memref<425984xi32, #tpu.memory_space<hbm>> -> memref<1024xi32, #tpu.memory_space<hbm>>
      tpu.enqueue_dma source(%dma_start3A_644 : memref<1024xi32, #tpu.memory_space<hbm>>) target(%dma_start3A_643 : memref<1024xi32, #tpu.memory_space<vmem>>) target_semaphore(%run_scoped3A : memref<!tpu.dma_semaphore, #tpu.memory_space<semaphore_mem>>)
      %dma_wait3A_645 = arith.constant 0 : i32
      %dma_wait3A_646 = tpu.memref_slice %arg5[%dma_wait3A_645] : memref<13312xi32, #tpu.memory_space<vmem>> -> memref<1024xi32, #tpu.memory_space<vmem>>
      %dma_wait3A_647 = tpu.memref_slice %arg2[%mul3A_2] : memref<425984xi32, #tpu.memory_space<hbm>> -> memref<1024xi32, #tpu.memory_space<hbm>>
      %dma_wait3A_648 = arith.constant 0 : i32
      %dma_wait3A_649 = tpu.memref_slice %arg5[%dma_wait3A_648] : memref<13312xi32, #tpu.memory_space<vmem>> -> memref<1024xi32, #tpu.memory_space<vmem>>
      %dma_wait3A_650 = tpu.memref_slice %arg2[%mul3A_2] : memref<425984xi32, #tpu.memory_space<hbm>> -> memref<1024xi32, #tpu.memory_space<hbm>>
      tpu.wait_dma2 semaphore(%run_scoped3A : memref<!tpu.dma_semaphore, #tpu.memory_space<semaphore_mem>>) src(%dma_wait3A_650 : memref<1024xi32, #tpu.memory_space<hbm>>) dst(%dma_wait3A_649 : memref<1024xi32, #tpu.memory_space<vmem>>)
      tpu.yield
    }) : () -> ()
    %add3A_3 = arith.constant 1024 : i32
    %add3A_4 = arith.addi %mul3A_2, %add3A_3 : i32
    %dma_start3A = arith.constant 1024 : i32
    %dma_start3A_5 = tpu.memref_slice %arg5[%dma_start3A] : memref<13312xi32, #tpu.memory_space<vmem>> -> memref<12288xi32, #tpu.memory_space<vmem>>
    %dma_start3A_6 = tpu.memref_slice %arg2[%add3A_4] : memref<425984xi32, #tpu.memory_space<hbm>> -> memref<12288xi32, #tpu.memory_space<hbm>>
    %dma_start3A_7 = arith.constant 1024 : i32
    %dma_start3A_8 = tpu.memref_slice %arg5[%dma_start3A_7] : memref<13312xi32, #tpu.memory_space<vmem>> -> memref<12288xi32, #tpu.memory_space<vmem>>
    %dma_start3A_9 = tpu.memref_slice %arg2[%add3A_4] : memref<425984xi32, #tpu.memory_space<hbm>> -> memref<12288xi32, #tpu.memory_space<hbm>>
    tpu.enqueue_dma source(%dma_start3A_9 : memref<12288xi32, #tpu.memory_space<hbm>>) target(%dma_start3A_8 : memref<12288xi32, #tpu.memory_space<vmem>>) target_semaphore(%arg13 : memref<!tpu.dma_semaphore, #tpu.memory_space<semaphore_mem>>)
    %dma_start3A_10 = arith.constant 0 : i32
    %dma_start3A_11 = arith.constant 0 : i32
    %dma_start3A_12 = arith.constant 0 : i32
    %dma_start3A_13 = tpu.memref_slice %arg6[%dma_start3A_10, %dma_start3A_11, %dma_start3A_12] : memref<3x1024x32xf32, #tpu.memory_space<vmem>> -> memref<1x1024x32xf32, #tpu.memory_space<vmem>>
    %dma_start3A_14 = tpu.memref_squeeze %dma_start3A_13 : memref<1x1024x32xf32, #tpu.memory_space<vmem>> -> memref<1024x32xf32, #tpu.memory_space<vmem>>
    %dma_start3A_15 = arith.constant 0 : i32
    %dma_start3A_16 = tpu.memref_slice %arg5[%dma_start3A_15] : memref<13312xi32, #tpu.memory_space<vmem>> -> memref<1024xi32, #tpu.memory_space<vmem>>
    %dma_start3A_17 = arith.constant 0 : i32
    %dma_start3A_18 = arith.constant 0 : i32
    %dma_start3A_19 = tpu.memref_slice %arg3[%dma_start3A_17, %dma_start3A_18] : memref<1000000x32xf32, #tpu.memory_space<hbm>> -> memref<1000000x32xf32, #tpu.memory_space<hbm>>
    tpu.enqueue_indirect_dma source(%dma_start3A_19 : memref<1000000x32xf32, #tpu.memory_space<hbm>>) target(%dma_start3A_14 : memref<1024x32xf32, #tpu.memory_space<vmem>>) offsets(%dma_start3A_16 : memref<1024xi32, #tpu.memory_space<vmem>>) semaphore(%arg7 : memref<!tpu.dma_semaphore, #tpu.memory_space<semaphore_mem>>)
    %dma_wait3A = arith.constant 1024 : i32
    %dma_wait3A_20 = tpu.memref_slice %arg5[%dma_wait3A] : memref<13312xi32, #tpu.memory_space<vmem>> -> memref<12288xi32, #tpu.memory_space<vmem>>
    %dma_wait3A_21 = tpu.memref_slice %arg2[%add3A_4] : memref<425984xi32, #tpu.memory_space<hbm>> -> memref<12288xi32, #tpu.memory_space<hbm>>
    %dma_wait3A_22 = arith.constant 1024 : i32
    %dma_wait3A_23 = tpu.memref_slice %arg5[%dma_wait3A_22] : memref<13312xi32, #tpu.memory_space<vmem>> -> memref<12288xi32, #tpu.memory_space<vmem>>
    %dma_wait3A_24 = tpu.memref_slice %arg2[%add3A_4] : memref<425984xi32, #tpu.memory_space<hbm>> -> memref<12288xi32, #tpu.memory_space<hbm>>
    tpu.wait_dma2 semaphore(%arg13 : memref<!tpu.dma_semaphore, #tpu.memory_space<semaphore_mem>>) src(%dma_wait3A_24 : memref<12288xi32, #tpu.memory_space<hbm>>) dst(%dma_wait3A_23 : memref<12288xi32, #tpu.memory_space<vmem>>)
    %dma_start3A_25 = arith.constant 1 : i32
    %dma_start3A_26 = arith.constant 0 : i32
    %dma_start3A_27 = arith.constant 0 : i32
    %dma_start3A_28 = tpu.memref_slice %arg6[%dma_start3A_25, %dma_start3A_26, %dma_start3A_27] : memref<3x1024x32xf32, #tpu.memory_space<vmem>> -> memref<1x1024x32xf32, #tpu.memory_space<vmem>>
    %dma_start3A_29 = tpu.memref_squeeze %dma_start3A_28 : memref<1x1024x32xf32, #tpu.memory_space<vmem>> -> memref<1024x32xf32, #tpu.memory_space<vmem>>
    %dma_start3A_30 = arith.constant 1024 : i32
    %dma_start3A_31 = tpu.memref_slice %arg5[%dma_start3A_30] : memref<13312xi32, #tpu.memory_space<vmem>> -> memref<1024xi32, #tpu.memory_space<vmem>>
    %dma_start3A_32 = arith.constant 0 : i32
    %dma_start3A_33 = arith.constant 0 : i32
    %dma_start3A_34 = tpu.memref_slice %arg3[%dma_start3A_32, %dma_start3A_33] : memref<1000000x32xf32, #tpu.memory_space<hbm>> -> memref<1000000x32xf32, #tpu.memory_space<hbm>>
    tpu.enqueue_indirect_dma source(%dma_start3A_34 : memref<1000000x32xf32, #tpu.memory_space<hbm>>) target(%dma_start3A_29 : memref<1024x32xf32, #tpu.memory_space<vmem>>) offsets(%dma_start3A_31 : memref<1024xi32, #tpu.memory_space<vmem>>) semaphore(%arg8 : memref<!tpu.dma_semaphore, #tpu.memory_space<semaphore_mem>>)
    %dma_start3A_35 = arith.constant 2 : i32
    %dma_start3A_36 = arith.constant 0 : i32
    %dma_start3A_37 = arith.constant 0 : i32
    %dma_start3A_38 = tpu.memref_slice %arg6[%dma_start3A_35, %dma_start3A_36, %dma_start3A_37] : memref<3x1024x32xf32, #tpu.memory_space<vmem>> -> memref<1x1024x32xf32, #tpu.memory_space<vmem>>
    %dma_start3A_39 = tpu.memref_squeeze %dma_start3A_38 : memref<1x1024x32xf32, #tpu.memory_space<vmem>> -> memref<1024x32xf32, #tpu.memory_space<vmem>>
    %dma_start3A_40 = arith.constant 2048 : i32
    %dma_start3A_41 = tpu.memref_slice %arg5[%dma_start3A_40] : memref<13312xi32, #tpu.memory_space<vmem>> -> memref<1024xi32, #tpu.memory_space<vmem>>
    %dma_start3A_42 = arith.constant 0 : i32
    %dma_start3A_43 = arith.constant 0 : i32
    %dma_start3A_44 = tpu.memref_slice %arg3[%dma_start3A_42, %dma_start3A_43] : memref<1000000x32xf32, #tpu.memory_space<hbm>> -> memref<1000000x32xf32, #tpu.memory_space<hbm>>
    tpu.enqueue_indirect_dma source(%dma_start3A_44 : memref<1000000x32xf32, #tpu.memory_space<hbm>>) target(%dma_start3A_39 : memref<1024x32xf32, #tpu.memory_space<vmem>>) offsets(%dma_start3A_41 : memref<1024xi32, #tpu.memory_space<vmem>>) semaphore(%arg9 : memref<!tpu.dma_semaphore, #tpu.memory_space<semaphore_mem>>)
    %dma_wait3A_45 = arith.constant 0 : i32
    %dma_wait3A_46 = arith.constant 0 : i32
    %dma_wait3A_47 = arith.constant 0 : i32
    %dma_wait3A_48 = tpu.memref_slice %arg6[%dma_wait3A_45, %dma_wait3A_46, %dma_wait3A_47] : memref<3x1024x32xf32, #tpu.memory_space<vmem>> -> memref<1x1024x32xf32, #tpu.memory_space<vmem>>
    %dma_wait3A_49 = tpu.memref_squeeze %dma_wait3A_48 : memref<1x1024x32xf32, #tpu.memory_space<vmem>> -> memref<1024x32xf32, #tpu.memory_space<vmem>>
    %dma_wait3A_50 = arith.constant 0 : i32
    %dma_wait3A_51 = tpu.memref_slice %arg5[%dma_wait3A_50] : memref<13312xi32, #tpu.memory_space<vmem>> -> memref<1024xi32, #tpu.memory_space<vmem>>
    %dma_wait3A_52 = arith.constant 0 : i32
    %dma_wait3A_53 = arith.constant 0 : i32
    %dma_wait3A_54 = tpu.memref_slice %arg3[%dma_wait3A_52, %dma_wait3A_53] : memref<1000000x32xf32, #tpu.memory_space<hbm>> -> memref<1000000x32xf32, #tpu.memory_space<hbm>>
    tpu.wait_indirect_dma semaphore(%arg7 : memref<!tpu.dma_semaphore, #tpu.memory_space<semaphore_mem>>) src(%dma_wait3A_54 : memref<1000000x32xf32, #tpu.memory_space<hbm>>) dst(%dma_wait3A_49 : memref<1024x32xf32, #tpu.memory_space<vmem>>)
    %add3A_55 = arith.constant 0 : i32
    %add3A_56 = arith.addi %mul3A_2, %add3A_55 : i32
    %dma_start3A_57 = arith.constant 0 : i32
    %dma_start3A_58 = arith.constant 0 : i32
    %dma_start3A_59 = arith.constant 0 : i32
    %dma_start3A_60 = tpu.memref_slice %arg6[%dma_start3A_57, %dma_start3A_58, %dma_start3A_59] : memref<3x1024x32xf32, #tpu.memory_space<vmem>> -> memref<1x1024x32xf32, #tpu.memory_space<vmem>>
    %dma_start3A_61 = tpu.memref_squeeze %dma_start3A_60 : memref<1x1024x32xf32, #tpu.memory_space<vmem>> -> memref<1024x32xf32, #tpu.memory_space<vmem>>
    %dma_start3A_62 = arith.constant 0 : i32
    %dma_start3A_63 = tpu.memref_slice %arg4[%add3A_56, %dma_start3A_62] : memref<425984x32xf32, #tpu.memory_space<hbm>> -> memref<1024x32xf32, #tpu.memory_space<hbm>>
    %dma_start3A_64 = arith.constant 0 : i32
    %dma_start3A_65 = tpu.memref_slice %arg4[%add3A_56, %dma_start3A_64] : memref<425984x32xf32, #tpu.memory_space<hbm>> -> memref<1024x32xf32, #tpu.memory_space<hbm>>
    %dma_start3A_66 = arith.constant 0 : i32
    %dma_start3A_67 = arith.constant 0 : i32
    %dma_start3A_68 = tpu.memref_slice %arg6[%dma_start3A_57, %dma_start3A_66, %dma_start3A_67] : memref<3x1024x32xf32, #tpu.memory_space<vmem>> -> memref<1x1024x32xf32, #tpu.memory_space<vmem>>
    %dma_start3A_69 = tpu.memref_squeeze %dma_start3A_68 : memref<1x1024x32xf32, #tpu.memory_space<vmem>> -> memref<1024x32xf32, #tpu.memory_space<vmem>>
    tpu.enqueue_dma source(%dma_start3A_69 : memref<1024x32xf32, #tpu.memory_space<vmem>>) target(%dma_start3A_65 : memref<1024x32xf32, #tpu.memory_space<hbm>>) target_semaphore(%arg10 : memref<!tpu.dma_semaphore, #tpu.memory_space<semaphore_mem>>)
    %dma_wait3A_70 = arith.constant 0 : i32
    %dma_wait3A_71 = arith.constant 0 : i32
    %dma_wait3A_72 = arith.constant 0 : i32
    %dma_wait3A_73 = tpu.memref_slice %arg6[%dma_wait3A_70, %dma_wait3A_71, %dma_wait3A_72] : memref<3x1024x32xf32, #tpu.memory_space<vmem>> -> memref<1x1024x32xf32, #tpu.memory_space<vmem>>
    %dma_wait3A_74 = tpu.memref_squeeze %dma_wait3A_73 : memref<1x1024x32xf32, #tpu.memory_space<vmem>> -> memref<1024x32xf32, #tpu.memory_space<vmem>>
    %dma_wait3A_75 = arith.constant 0 : i32
    %dma_wait3A_76 = tpu.memref_slice %arg4[%add3A_56, %dma_wait3A_75] : memref<425984x32xf32, #tpu.memory_space<hbm>> -> memref<1024x32xf32, #tpu.memory_space<hbm>>
    %dma_wait3A_77 = arith.constant 0 : i32
    %dma_wait3A_78 = tpu.memref_slice %arg4[%add3A_56, %dma_wait3A_77] : memref<425984x32xf32, #tpu.memory_space<hbm>> -> memref<1024x32xf32, #tpu.memory_space<hbm>>
    %dma_wait3A_79 = arith.constant 0 : i32
    %dma_wait3A_80 = arith.constant 0 : i32
    %dma_wait3A_81 = tpu.memref_slice %arg6[%dma_wait3A_70, %dma_wait3A_79, %dma_wait3A_80] : memref<3x1024x32xf32, #tpu.memory_space<vmem>> -> memref<1x1024x32xf32, #tpu.memory_space<vmem>>
    %dma_wait3A_82 = tpu.memref_squeeze %dma_wait3A_81 : memref<1x1024x32xf32, #tpu.memory_space<vmem>> -> memref<1024x32xf32, #tpu.memory_space<vmem>>
    tpu.wait_dma2 semaphore(%arg10 : memref<!tpu.dma_semaphore, #tpu.memory_space<semaphore_mem>>) src(%dma_wait3A_82 : memref<1024x32xf32, #tpu.memory_space<vmem>>) dst(%dma_wait3A_78 : memref<1024x32xf32, #tpu.memory_space<hbm>>)
    %dma_start3A_83 = arith.constant 0 : i32
    %dma_start3A_84 = arith.constant 0 : i32
    %dma_start3A_85 = arith.constant 0 : i32
    %dma_start3A_86 = tpu.memref_slice %arg6[%dma_start3A_83, %dma_start3A_84, %dma_start3A_85] : memref<3x1024x32xf32, #tpu.memory_space<vmem>> -> memref<1x1024x32xf32, #tpu.memory_space<vmem>>
    %dma_start3A_87 = tpu.memref_squeeze %dma_start3A_86 : memref<1x1024x32xf32, #tpu.memory_space<vmem>> -> memref<1024x32xf32, #tpu.memory_space<vmem>>
    %dma_start3A_88 = arith.constant 3072 : i32
    %dma_start3A_89 = tpu.memref_slice %arg5[%dma_start3A_88] : memref<13312xi32, #tpu.memory_space<vmem>> -> memref<1024xi32, #tpu.memory_space<vmem>>
    %dma_start3A_90 = arith.constant 0 : i32
    %dma_start3A_91 = arith.constant 0 : i32
    %dma_start3A_92 = tpu.memref_slice %arg3[%dma_start3A_90, %dma_start3A_91] : memref<1000000x32xf32, #tpu.memory_space<hbm>> -> memref<1000000x32xf32, #tpu.memory_space<hbm>>
    tpu.enqueue_indirect_dma source(%dma_start3A_92 : memref<1000000x32xf32, #tpu.memory_space<hbm>>) target(%dma_start3A_87 : memref<1024x32xf32, #tpu.memory_space<vmem>>) offsets(%dma_start3A_89 : memref<1024xi32, #tpu.memory_space<vmem>>) semaphore(%arg7 : memref<!tpu.dma_semaphore, #tpu.memory_space<semaphore_mem>>)
    %dma_wait3A_93 = arith.constant 1 : i32
    %dma_wait3A_94 = arith.constant 0 : i32
    %dma_wait3A_95 = arith.constant 0 : i32
    %dma_wait3A_96 = tpu.memref_slice %arg6[%dma_wait3A_93, %dma_wait3A_94, %dma_wait3A_95] : memref<3x1024x32xf32, #tpu.memory_space<vmem>> -> memref<1x1024x32xf32, #tpu.memory_space<vmem>>
    %dma_wait3A_97 = tpu.memref_squeeze %dma_wait3A_96 : memref<1x1024x32xf32, #tpu.memory_space<vmem>> -> memref<1024x32xf32, #tpu.memory_space<vmem>>
    %dma_wait3A_98 = arith.constant 1024 : i32
    %dma_wait3A_99 = tpu.memref_slice %arg5[%dma_wait3A_98] : memref<13312xi32, #tpu.memory_space<vmem>> -> memref<1024xi32, #tpu.memory_space<vmem>>
    %dma_wait3A_100 = arith.constant 0 : i32
    %dma_wait3A_101 = arith.constant 0 : i32
    %dma_wait3A_102 = tpu.memref_slice %arg3[%dma_wait3A_100, %dma_wait3A_101] : memref<1000000x32xf32, #tpu.memory_space<hbm>> -> memref<1000000x32xf32, #tpu.memory_space<hbm>>
    tpu.wait_indirect_dma semaphore(%arg8 : memref<!tpu.dma_semaphore, #tpu.memory_space<semaphore_mem>>) src(%dma_wait3A_102 : memref<1000000x32xf32, #tpu.memory_space<hbm>>) dst(%dma_wait3A_97 : memref<1024x32xf32, #tpu.memory_space<vmem>>)
    %add3A_103 = arith.constant 1024 : i32
    %add3A_104 = arith.addi %mul3A_2, %add3A_103 : i32
    %dma_start3A_105 = arith.constant 1 : i32
    %dma_start3A_106 = arith.constant 0 : i32
    %dma_start3A_107 = arith.constant 0 : i32
    %dma_start3A_108 = tpu.memref_slice %arg6[%dma_start3A_105, %dma_start3A_106, %dma_start3A_107] : memref<3x1024x32xf32, #tpu.memory_space<vmem>> -> memref<1x1024x32xf32, #tpu.memory_space<vmem>>
    %dma_start3A_109 = tpu.memref_squeeze %dma_start3A_108 : memref<1x1024x32xf32, #tpu.memory_space<vmem>> -> memref<1024x32xf32, #tpu.memory_space<vmem>>
    %dma_start3A_110 = arith.constant 0 : i32
    %dma_start3A_111 = tpu.memref_slice %arg4[%add3A_104, %dma_start3A_110] : memref<425984x32xf32, #tpu.memory_space<hbm>> -> memref<1024x32xf32, #tpu.memory_space<hbm>>
    %dma_start3A_112 = arith.constant 0 : i32
    %dma_start3A_113 = tpu.memref_slice %arg4[%add3A_104, %dma_start3A_112] : memref<425984x32xf32, #tpu.memory_space<hbm>> -> memref<1024x32xf32, #tpu.memory_space<hbm>>
    %dma_start3A_114 = arith.constant 0 : i32
    %dma_start3A_115 = arith.constant 0 : i32
    %dma_start3A_116 = tpu.memref_slice %arg6[%dma_start3A_105, %dma_start3A_114, %dma_start3A_115] : memref<3x1024x32xf32, #tpu.memory_space<vmem>> -> memref<1x1024x32xf32, #tpu.memory_space<vmem>>
    %dma_start3A_117 = tpu.memref_squeeze %dma_start3A_116 : memref<1x1024x32xf32, #tpu.memory_space<vmem>> -> memref<1024x32xf32, #tpu.memory_space<vmem>>
    tpu.enqueue_dma source(%dma_start3A_117 : memref<1024x32xf32, #tpu.memory_space<vmem>>) target(%dma_start3A_113 : memref<1024x32xf32, #tpu.memory_space<hbm>>) target_semaphore(%arg11 : memref<!tpu.dma_semaphore, #tpu.memory_space<semaphore_mem>>)
    %dma_wait3A_118 = arith.constant 1 : i32
    %dma_wait3A_119 = arith.constant 0 : i32
    %dma_wait3A_120 = arith.constant 0 : i32
    %dma_wait3A_121 = tpu.memref_slice %arg6[%dma_wait3A_118, %dma_wait3A_119, %dma_wait3A_120] : memref<3x1024x32xf32, #tpu.memory_space<vmem>> -> memref<1x1024x32xf32, #tpu.memory_space<vmem>>
    %dma_wait3A_122 = tpu.memref_squeeze %dma_wait3A_121 : memref<1x1024x32xf32, #tpu.memory_space<vmem>> -> memref<1024x32xf32, #tpu.memory_space<vmem>>
    %dma_wait3A_123 = arith.constant 0 : i32
    %dma_wait3A_124 = tpu.memref_slice %arg4[%add3A_104, %dma_wait3A_123] : memref<425984x32xf32, #tpu.memory_space<hbm>> -> memref<1024x32xf32, #tpu.memory_space<hbm>>
    %dma_wait3A_125 = arith.constant 0 : i32
    %dma_wait3A_126 = tpu.memref_slice %arg4[%add3A_104, %dma_wait3A_125] : memref<425984x32xf32, #tpu.memory_space<hbm>> -> memref<1024x32xf32, #tpu.memory_space<hbm>>
    %dma_wait3A_127 = arith.constant 0 : i32
    %dma_wait3A_128 = arith.constant 0 : i32
    %dma_wait3A_129 = tpu.memref_slice %arg6[%dma_wait3A_118, %dma_wait3A_127, %dma_wait3A_128] : memref<3x1024x32xf32, #tpu.memory_space<vmem>> -> memref<1x1024x32xf32, #tpu.memory_space<vmem>>
    %dma_wait3A_130 = tpu.memref_squeeze %dma_wait3A_129 : memref<1x1024x32xf32, #tpu.memory_space<vmem>> -> memref<1024x32xf32, #tpu.memory_space<vmem>>
    tpu.wait_dma2 semaphore(%arg11 : memref<!tpu.dma_semaphore, #tpu.memory_space<semaphore_mem>>) src(%dma_wait3A_130 : memref<1024x32xf32, #tpu.memory_space<vmem>>) dst(%dma_wait3A_126 : memref<1024x32xf32, #tpu.memory_space<hbm>>)
    %dma_start3A_131 = arith.constant 1 : i32
    %dma_start3A_132 = arith.constant 0 : i32
    %dma_start3A_133 = arith.constant 0 : i32
    %dma_start3A_134 = tpu.memref_slice %arg6[%dma_start3A_131, %dma_start3A_132, %dma_start3A_133] : memref<3x1024x32xf32, #tpu.memory_space<vmem>> -> memref<1x1024x32xf32, #tpu.memory_space<vmem>>
    %dma_start3A_135 = tpu.memref_squeeze %dma_start3A_134 : memref<1x1024x32xf32, #tpu.memory_space<vmem>> -> memref<1024x32xf32, #tpu.memory_space<vmem>>
    %dma_start3A_136 = arith.constant 4096 : i32
    %dma_start3A_137 = tpu.memref_slice %arg5[%dma_start3A_136] : memref<13312xi32, #tpu.memory_space<vmem>> -> memref<1024xi32, #tpu.memory_space<vmem>>
    %dma_start3A_138 = arith.constant 0 : i32
    %dma_start3A_139 = arith.constant 0 : i32
    %dma_start3A_140 = tpu.memref_slice %arg3[%dma_start3A_138, %dma_start3A_139] : memref<1000000x32xf32, #tpu.memory_space<hbm>> -> memref<1000000x32xf32, #tpu.memory_space<hbm>>
    tpu.enqueue_indirect_dma source(%dma_start3A_140 : memref<1000000x32xf32, #tpu.memory_space<hbm>>) target(%dma_start3A_135 : memref<1024x32xf32, #tpu.memory_space<vmem>>) offsets(%dma_start3A_137 : memref<1024xi32, #tpu.memory_space<vmem>>) semaphore(%arg8 : memref<!tpu.dma_semaphore, #tpu.memory_space<semaphore_mem>>)
    %dma_wait3A_141 = arith.constant 2 : i32
    %dma_wait3A_142 = arith.constant 0 : i32
    %dma_wait3A_143 = arith.constant 0 : i32
    %dma_wait3A_144 = tpu.memref_slice %arg6[%dma_wait3A_141, %dma_wait3A_142, %dma_wait3A_143] : memref<3x1024x32xf32, #tpu.memory_space<vmem>> -> memref<1x1024x32xf32, #tpu.memory_space<vmem>>
    %dma_wait3A_145 = tpu.memref_squeeze %dma_wait3A_144 : memref<1x1024x32xf32, #tpu.memory_space<vmem>> -> memref<1024x32xf32, #tpu.memory_space<vmem>>
    %dma_wait3A_146 = arith.constant 2048 : i32
    %dma_wait3A_147 = tpu.memref_slice %arg5[%dma_wait3A_146] : memref<13312xi32, #tpu.memory_space<vmem>> -> memref<1024xi32, #tpu.memory_space<vmem>>
    %dma_wait3A_148 = arith.constant 0 : i32
    %dma_wait3A_149 = arith.constant 0 : i32
    %dma_wait3A_150 = tpu.memref_slice %arg3[%dma_wait3A_148, %dma_wait3A_149] : memref<1000000x32xf32, #tpu.memory_space<hbm>> -> memref<1000000x32xf32, #tpu.memory_space<hbm>>
    tpu.wait_indirect_dma semaphore(%arg9 : memref<!tpu.dma_semaphore, #tpu.memory_space<semaphore_mem>>) src(%dma_wait3A_150 : memref<1000000x32xf32, #tpu.memory_space<hbm>>) dst(%dma_wait3A_145 : memref<1024x32xf32, #tpu.memory_space<vmem>>)
    %add3A_151 = arith.constant 2048 : i32
    %add3A_152 = arith.addi %mul3A_2, %add3A_151 : i32
    %dma_start3A_153 = arith.constant 2 : i32
    %dma_start3A_154 = arith.constant 0 : i32
    %dma_start3A_155 = arith.constant 0 : i32
    %dma_start3A_156 = tpu.memref_slice %arg6[%dma_start3A_153, %dma_start3A_154, %dma_start3A_155] : memref<3x1024x32xf32, #tpu.memory_space<vmem>> -> memref<1x1024x32xf32, #tpu.memory_space<vmem>>
    %dma_start3A_157 = tpu.memref_squeeze %dma_start3A_156 : memref<1x1024x32xf32, #tpu.memory_space<vmem>> -> memref<1024x32xf32, #tpu.memory_space<vmem>>
    %dma_start3A_158 = arith.constant 0 : i32
    %dma_start3A_159 = tpu.memref_slice %arg4[%add3A_152, %dma_start3A_158] : memref<425984x32xf32, #tpu.memory_space<hbm>> -> memref<1024x32xf32, #tpu.memory_space<hbm>>
    %dma_start3A_160 = arith.constant 0 : i32
    %dma_start3A_161 = tpu.memref_slice %arg4[%add3A_152, %dma_start3A_160] : memref<425984x32xf32, #tpu.memory_space<hbm>> -> memref<1024x32xf32, #tpu.memory_space<hbm>>
    %dma_start3A_162 = arith.constant 0 : i32
    %dma_start3A_163 = arith.constant 0 : i32
    %dma_start3A_164 = tpu.memref_slice %arg6[%dma_start3A_153, %dma_start3A_162, %dma_start3A_163] : memref<3x1024x32xf32, #tpu.memory_space<vmem>> -> memref<1x1024x32xf32, #tpu.memory_space<vmem>>
    %dma_start3A_165 = tpu.memref_squeeze %dma_start3A_164 : memref<1x1024x32xf32, #tpu.memory_space<vmem>> -> memref<1024x32xf32, #tpu.memory_space<vmem>>
    tpu.enqueue_dma source(%dma_start3A_165 : memref<1024x32xf32, #tpu.memory_space<vmem>>) target(%dma_start3A_161 : memref<1024x32xf32, #tpu.memory_space<hbm>>) target_semaphore(%arg12 : memref<!tpu.dma_semaphore, #tpu.memory_space<semaphore_mem>>)
    %dma_wait3A_166 = arith.constant 2 : i32
    %dma_wait3A_167 = arith.constant 0 : i32
    %dma_wait3A_168 = arith.constant 0 : i32
    %dma_wait3A_169 = tpu.memref_slice %arg6[%dma_wait3A_166, %dma_wait3A_167, %dma_wait3A_168] : memref<3x1024x32xf32, #tpu.memory_space<vmem>> -> memref<1x1024x32xf32, #tpu.memory_space<vmem>>
    %dma_wait3A_170 = tpu.memref_squeeze %dma_wait3A_169 : memref<1x1024x32xf32, #tpu.memory_space<vmem>> -> memref<1024x32xf32, #tpu.memory_space<vmem>>
    %dma_wait3A_171 = arith.constant 0 : i32
    %dma_wait3A_172 = tpu.memref_slice %arg4[%add3A_152, %dma_wait3A_171] : memref<425984x32xf32, #tpu.memory_space<hbm>> -> memref<1024x32xf32, #tpu.memory_space<hbm>>
    %dma_wait3A_173 = arith.constant 0 : i32
    %dma_wait3A_174 = tpu.memref_slice %arg4[%add3A_152, %dma_wait3A_173] : memref<425984x32xf32, #tpu.memory_space<hbm>> -> memref<1024x32xf32, #tpu.memory_space<hbm>>
    %dma_wait3A_175 = arith.constant 0 : i32
    %dma_wait3A_176 = arith.constant 0 : i32
    %dma_wait3A_177 = tpu.memref_slice %arg6[%dma_wait3A_166, %dma_wait3A_175, %dma_wait3A_176] : memref<3x1024x32xf32, #tpu.memory_space<vmem>> -> memref<1x1024x32xf32, #tpu.memory_space<vmem>>
    %dma_wait3A_178 = tpu.memref_squeeze %dma_wait3A_177 : memref<1x1024x32xf32, #tpu.memory_space<vmem>> -> memref<1024x32xf32, #tpu.memory_space<vmem>>
    tpu.wait_dma2 semaphore(%arg12 : memref<!tpu.dma_semaphore, #tpu.memory_space<semaphore_mem>>) src(%dma_wait3A_178 : memref<1024x32xf32, #tpu.memory_space<vmem>>) dst(%dma_wait3A_174 : memref<1024x32xf32, #tpu.memory_space<hbm>>)
    %dma_start3A_179 = arith.constant 2 : i32
    %dma_start3A_180 = arith.constant 0 : i32
    %dma_start3A_181 = arith.constant 0 : i32
    %dma_start3A_182 = tpu.memref_slice %arg6[%dma_start3A_179, %dma_start3A_180, %dma_start3A_181] : memref<3x1024x32xf32, #tpu.memory_space<vmem>> -> memref<1x1024x32xf32, #tpu.memory_space<vmem>>
    %dma_start3A_183 = tpu.memref_squeeze %dma_start3A_182 : memref<1x1024x32xf32, #tpu.memory_space<vmem>> -> memref<1024x32xf32, #tpu.memory_space<vmem>>
    %dma_start3A_184 = arith.constant 5120 : i32
    %dma_start3A_185 = tpu.memref_slice %arg5[%dma_start3A_184] : memref<13312xi32, #tpu.memory_space<vmem>> -> memref<1024xi32, #tpu.memory_space<vmem>>
    %dma_start3A_186 = arith.constant 0 : i32
    %dma_start3A_187 = arith.constant 0 : i32
    %dma_start3A_188 = tpu.memref_slice %arg3[%dma_start3A_186, %dma_start3A_187] : memref<1000000x32xf32, #tpu.memory_space<hbm>> -> memref<1000000x32xf32, #tpu.memory_space<hbm>>
    tpu.enqueue_indirect_dma source(%dma_start3A_188 : memref<1000000x32xf32, #tpu.memory_space<hbm>>) target(%dma_start3A_183 : memref<1024x32xf32, #tpu.memory_space<vmem>>) offsets(%dma_start3A_185 : memref<1024xi32, #tpu.memory_space<vmem>>) semaphore(%arg9 : memref<!tpu.dma_semaphore, #tpu.memory_space<semaphore_mem>>)
    %dma_wait3A_189 = arith.constant 0 : i32
    %dma_wait3A_190 = arith.constant 0 : i32
    %dma_wait3A_191 = arith.constant 0 : i32
    %dma_wait3A_192 = tpu.memref_slice %arg6[%dma_wait3A_189, %dma_wait3A_190, %dma_wait3A_191] : memref<3x1024x32xf32, #tpu.memory_space<vmem>> -> memref<1x1024x32xf32, #tpu.memory_space<vmem>>
    %dma_wait3A_193 = tpu.memref_squeeze %dma_wait3A_192 : memref<1x1024x32xf32, #tpu.memory_space<vmem>> -> memref<1024x32xf32, #tpu.memory_space<vmem>>
    %dma_wait3A_194 = arith.constant 3072 : i32
    %dma_wait3A_195 = tpu.memref_slice %arg5[%dma_wait3A_194] : memref<13312xi32, #tpu.memory_space<vmem>> -> memref<1024xi32, #tpu.memory_space<vmem>>
    %dma_wait3A_196 = arith.constant 0 : i32
    %dma_wait3A_197 = arith.constant 0 : i32
    %dma_wait3A_198 = tpu.memref_slice %arg3[%dma_wait3A_196, %dma_wait3A_197] : memref<1000000x32xf32, #tpu.memory_space<hbm>> -> memref<1000000x32xf32, #tpu.memory_space<hbm>>
    tpu.wait_indirect_dma semaphore(%arg7 : memref<!tpu.dma_semaphore, #tpu.memory_space<semaphore_mem>>) src(%dma_wait3A_198 : memref<1000000x32xf32, #tpu.memory_space<hbm>>) dst(%dma_wait3A_193 : memref<1024x32xf32, #tpu.memory_space<vmem>>)
    %add3A_199 = arith.constant 3072 : i32
    %add3A_200 = arith.addi %mul3A_2, %add3A_199 : i32
    %dma_start3A_201 = arith.constant 0 : i32
    %dma_start3A_202 = arith.constant 0 : i32
    %dma_start3A_203 = arith.constant 0 : i32
    %dma_start3A_204 = tpu.memref_slice %arg6[%dma_start3A_201, %dma_start3A_202, %dma_start3A_203] : memref<3x1024x32xf32, #tpu.memory_space<vmem>> -> memref<1x1024x32xf32, #tpu.memory_space<vmem>>
    %dma_start3A_205 = tpu.memref_squeeze %dma_start3A_204 : memref<1x1024x32xf32, #tpu.memory_space<vmem>> -> memref<1024x32xf32, #tpu.memory_space<vmem>>
    %dma_start3A_206 = arith.constant 0 : i32
    %dma_start3A_207 = tpu.memref_slice %arg4[%add3A_200, %dma_start3A_206] : memref<425984x32xf32, #tpu.memory_space<hbm>> -> memref<1024x32xf32, #tpu.memory_space<hbm>>
    %dma_start3A_208 = arith.constant 0 : i32
    %dma_start3A_209 = tpu.memref_slice %arg4[%add3A_200, %dma_start3A_208] : memref<425984x32xf32, #tpu.memory_space<hbm>> -> memref<1024x32xf32, #tpu.memory_space<hbm>>
    %dma_start3A_210 = arith.constant 0 : i32
    %dma_start3A_211 = arith.constant 0 : i32
    %dma_start3A_212 = tpu.memref_slice %arg6[%dma_start3A_201, %dma_start3A_210, %dma_start3A_211] : memref<3x1024x32xf32, #tpu.memory_space<vmem>> -> memref<1x1024x32xf32, #tpu.memory_space<vmem>>
    %dma_start3A_213 = tpu.memref_squeeze %dma_start3A_212 : memref<1x1024x32xf32, #tpu.memory_space<vmem>> -> memref<1024x32xf32, #tpu.memory_space<vmem>>
    tpu.enqueue_dma source(%dma_start3A_213 : memref<1024x32xf32, #tpu.memory_space<vmem>>) target(%dma_start3A_209 : memref<1024x32xf32, #tpu.memory_space<hbm>>) target_semaphore(%arg10 : memref<!tpu.dma_semaphore, #tpu.memory_space<semaphore_mem>>)
    %dma_wait3A_214 = arith.constant 0 : i32
    %dma_wait3A_215 = arith.constant 0 : i32
    %dma_wait3A_216 = arith.constant 0 : i32
    %dma_wait3A_217 = tpu.memref_slice %arg6[%dma_wait3A_214, %dma_wait3A_215, %dma_wait3A_216] : memref<3x1024x32xf32, #tpu.memory_space<vmem>> -> memref<1x1024x32xf32, #tpu.memory_space<vmem>>
    %dma_wait3A_218 = tpu.memref_squeeze %dma_wait3A_217 : memref<1x1024x32xf32, #tpu.memory_space<vmem>> -> memref<1024x32xf32, #tpu.memory_space<vmem>>
    %dma_wait3A_219 = arith.constant 0 : i32
    %dma_wait3A_220 = tpu.memref_slice %arg4[%add3A_200, %dma_wait3A_219] : memref<425984x32xf32, #tpu.memory_space<hbm>> -> memref<1024x32xf32, #tpu.memory_space<hbm>>
    %dma_wait3A_221 = arith.constant 0 : i32
    %dma_wait3A_222 = tpu.memref_slice %arg4[%add3A_200, %dma_wait3A_221] : memref<425984x32xf32, #tpu.memory_space<hbm>> -> memref<1024x32xf32, #tpu.memory_space<hbm>>
    %dma_wait3A_223 = arith.constant 0 : i32
    %dma_wait3A_224 = arith.constant 0 : i32
    %dma_wait3A_225 = tpu.memref_slice %arg6[%dma_wait3A_214, %dma_wait3A_223, %dma_wait3A_224] : memref<3x1024x32xf32, #tpu.memory_space<vmem>> -> memref<1x1024x32xf32, #tpu.memory_space<vmem>>
    %dma_wait3A_226 = tpu.memref_squeeze %dma_wait3A_225 : memref<1x1024x32xf32, #tpu.memory_space<vmem>> -> memref<1024x32xf32, #tpu.memory_space<vmem>>
    tpu.wait_dma2 semaphore(%arg10 : memref<!tpu.dma_semaphore, #tpu.memory_space<semaphore_mem>>) src(%dma_wait3A_226 : memref<1024x32xf32, #tpu.memory_space<vmem>>) dst(%dma_wait3A_222 : memref<1024x32xf32, #tpu.memory_space<hbm>>)
    %dma_start3A_227 = arith.constant 0 : i32
    %dma_start3A_228 = arith.constant 0 : i32
    %dma_start3A_229 = arith.constant 0 : i32
    %dma_start3A_230 = tpu.memref_slice %arg6[%dma_start3A_227, %dma_start3A_228, %dma_start3A_229] : memref<3x1024x32xf32, #tpu.memory_space<vmem>> -> memref<1x1024x32xf32, #tpu.memory_space<vmem>>
    %dma_start3A_231 = tpu.memref_squeeze %dma_start3A_230 : memref<1x1024x32xf32, #tpu.memory_space<vmem>> -> memref<1024x32xf32, #tpu.memory_space<vmem>>
    %dma_start3A_232 = arith.constant 6144 : i32
    %dma_start3A_233 = tpu.memref_slice %arg5[%dma_start3A_232] : memref<13312xi32, #tpu.memory_space<vmem>> -> memref<1024xi32, #tpu.memory_space<vmem>>
    %dma_start3A_234 = arith.constant 0 : i32
    %dma_start3A_235 = arith.constant 0 : i32
    %dma_start3A_236 = tpu.memref_slice %arg3[%dma_start3A_234, %dma_start3A_235] : memref<1000000x32xf32, #tpu.memory_space<hbm>> -> memref<1000000x32xf32, #tpu.memory_space<hbm>>
    tpu.enqueue_indirect_dma source(%dma_start3A_236 : memref<1000000x32xf32, #tpu.memory_space<hbm>>) target(%dma_start3A_231 : memref<1024x32xf32, #tpu.memory_space<vmem>>) offsets(%dma_start3A_233 : memref<1024xi32, #tpu.memory_space<vmem>>) semaphore(%arg7 : memref<!tpu.dma_semaphore, #tpu.memory_space<semaphore_mem>>)
    %dma_wait3A_237 = arith.constant 1 : i32
    %dma_wait3A_238 = arith.constant 0 : i32
    %dma_wait3A_239 = arith.constant 0 : i32
    %dma_wait3A_240 = tpu.memref_slice %arg6[%dma_wait3A_237, %dma_wait3A_238, %dma_wait3A_239] : memref<3x1024x32xf32, #tpu.memory_space<vmem>> -> memref<1x1024x32xf32, #tpu.memory_space<vmem>>
    %dma_wait3A_241 = tpu.memref_squeeze %dma_wait3A_240 : memref<1x1024x32xf32, #tpu.memory_space<vmem>> -> memref<1024x32xf32, #tpu.memory_space<vmem>>
    %dma_wait3A_242 = arith.constant 4096 : i32
    %dma_wait3A_243 = tpu.memref_slice %arg5[%dma_wait3A_242] : memref<13312xi32, #tpu.memory_space<vmem>> -> memref<1024xi32, #tpu.memory_space<vmem>>
    %dma_wait3A_244 = arith.constant 0 : i32
    %dma_wait3A_245 = arith.constant 0 : i32
    %dma_wait3A_246 = tpu.memref_slice %arg3[%dma_wait3A_244, %dma_wait3A_245] : memref<1000000x32xf32, #tpu.memory_space<hbm>> -> memref<1000000x32xf32, #tpu.memory_space<hbm>>
    tpu.wait_indirect_dma semaphore(%arg8 : memref<!tpu.dma_semaphore, #tpu.memory_space<semaphore_mem>>) src(%dma_wait3A_246 : memref<1000000x32xf32, #tpu.memory_space<hbm>>) dst(%dma_wait3A_241 : memref<1024x32xf32, #tpu.memory_space<vmem>>)
    %add3A_247 = arith.constant 4096 : i32
    %add3A_248 = arith.addi %mul3A_2, %add3A_247 : i32
    %dma_start3A_249 = arith.constant 1 : i32
    %dma_start3A_250 = arith.constant 0 : i32
    %dma_start3A_251 = arith.constant 0 : i32
    %dma_start3A_252 = tpu.memref_slice %arg6[%dma_start3A_249, %dma_start3A_250, %dma_start3A_251] : memref<3x1024x32xf32, #tpu.memory_space<vmem>> -> memref<1x1024x32xf32, #tpu.memory_space<vmem>>
    %dma_start3A_253 = tpu.memref_squeeze %dma_start3A_252 : memref<1x1024x32xf32, #tpu.memory_space<vmem>> -> memref<1024x32xf32, #tpu.memory_space<vmem>>
    %dma_start3A_254 = arith.constant 0 : i32
    %dma_start3A_255 = tpu.memref_slice %arg4[%add3A_248, %dma_start3A_254] : memref<425984x32xf32, #tpu.memory_space<hbm>> -> memref<1024x32xf32, #tpu.memory_space<hbm>>
    %dma_start3A_256 = arith.constant 0 : i32
    %dma_start3A_257 = tpu.memref_slice %arg4[%add3A_248, %dma_start3A_256] : memref<425984x32xf32, #tpu.memory_space<hbm>> -> memref<1024x32xf32, #tpu.memory_space<hbm>>
    %dma_start3A_258 = arith.constant 0 : i32
    %dma_start3A_259 = arith.constant 0 : i32
    %dma_start3A_260 = tpu.memref_slice %arg6[%dma_start3A_249, %dma_start3A_258, %dma_start3A_259] : memref<3x1024x32xf32, #tpu.memory_space<vmem>> -> memref<1x1024x32xf32, #tpu.memory_space<vmem>>
    %dma_start3A_261 = tpu.memref_squeeze %dma_start3A_260 : memref<1x1024x32xf32, #tpu.memory_space<vmem>> -> memref<1024x32xf32, #tpu.memory_space<vmem>>
    tpu.enqueue_dma source(%dma_start3A_261 : memref<1024x32xf32, #tpu.memory_space<vmem>>) target(%dma_start3A_257 : memref<1024x32xf32, #tpu.memory_space<hbm>>) target_semaphore(%arg11 : memref<!tpu.dma_semaphore, #tpu.memory_space<semaphore_mem>>)
    %dma_wait3A_262 = arith.constant 1 : i32
    %dma_wait3A_263 = arith.constant 0 : i32
    %dma_wait3A_264 = arith.constant 0 : i32
    %dma_wait3A_265 = tpu.memref_slice %arg6[%dma_wait3A_262, %dma_wait3A_263, %dma_wait3A_264] : memref<3x1024x32xf32, #tpu.memory_space<vmem>> -> memref<1x1024x32xf32, #tpu.memory_space<vmem>>
    %dma_wait3A_266 = tpu.memref_squeeze %dma_wait3A_265 : memref<1x1024x32xf32, #tpu.memory_space<vmem>> -> memref<1024x32xf32, #tpu.memory_space<vmem>>
    %dma_wait3A_267 = arith.constant 0 : i32
    %dma_wait3A_268 = tpu.memref_slice %arg4[%add3A_248, %dma_wait3A_267] : memref<425984x32xf32, #tpu.memory_space<hbm>> -> memref<1024x32xf32, #tpu.memory_space<hbm>>
    %dma_wait3A_269 = arith.constant 0 : i32
    %dma_wait3A_270 = tpu.memref_slice %arg4[%add3A_248, %dma_wait3A_269] : memref<425984x32xf32, #tpu.memory_space<hbm>> -> memref<1024x32xf32, #tpu.memory_space<hbm>>
    %dma_wait3A_271 = arith.constant 0 : i32
    %dma_wait3A_272 = arith.constant 0 : i32
    %dma_wait3A_273 = tpu.memref_slice %arg6[%dma_wait3A_262, %dma_wait3A_271, %dma_wait3A_272] : memref<3x1024x32xf32, #tpu.memory_space<vmem>> -> memref<1x1024x32xf32, #tpu.memory_space<vmem>>
    %dma_wait3A_274 = tpu.memref_squeeze %dma_wait3A_273 : memref<1x1024x32xf32, #tpu.memory_space<vmem>> -> memref<1024x32xf32, #tpu.memory_space<vmem>>
    tpu.wait_dma2 semaphore(%arg11 : memref<!tpu.dma_semaphore, #tpu.memory_space<semaphore_mem>>) src(%dma_wait3A_274 : memref<1024x32xf32, #tpu.memory_space<vmem>>) dst(%dma_wait3A_270 : memref<1024x32xf32, #tpu.memory_space<hbm>>)
    %dma_start3A_275 = arith.constant 1 : i32
    %dma_start3A_276 = arith.constant 0 : i32
    %dma_start3A_277 = arith.constant 0 : i32
    %dma_start3A_278 = tpu.memref_slice %arg6[%dma_start3A_275, %dma_start3A_276, %dma_start3A_277] : memref<3x1024x32xf32, #tpu.memory_space<vmem>> -> memref<1x1024x32xf32, #tpu.memory_space<vmem>>
    %dma_start3A_279 = tpu.memref_squeeze %dma_start3A_278 : memref<1x1024x32xf32, #tpu.memory_space<vmem>> -> memref<1024x32xf32, #tpu.memory_space<vmem>>
    %dma_start3A_280 = arith.constant 7168 : i32
    %dma_start3A_281 = tpu.memref_slice %arg5[%dma_start3A_280] : memref<13312xi32, #tpu.memory_space<vmem>> -> memref<1024xi32, #tpu.memory_space<vmem>>
    %dma_start3A_282 = arith.constant 0 : i32
    %dma_start3A_283 = arith.constant 0 : i32
    %dma_start3A_284 = tpu.memref_slice %arg3[%dma_start3A_282, %dma_start3A_283] : memref<1000000x32xf32, #tpu.memory_space<hbm>> -> memref<1000000x32xf32, #tpu.memory_space<hbm>>
    tpu.enqueue_indirect_dma source(%dma_start3A_284 : memref<1000000x32xf32, #tpu.memory_space<hbm>>) target(%dma_start3A_279 : memref<1024x32xf32, #tpu.memory_space<vmem>>) offsets(%dma_start3A_281 : memref<1024xi32, #tpu.memory_space<vmem>>) semaphore(%arg8 : memref<!tpu.dma_semaphore, #tpu.memory_space<semaphore_mem>>)
    %dma_wait3A_285 = arith.constant 2 : i32
    %dma_wait3A_286 = arith.constant 0 : i32
    %dma_wait3A_287 = arith.constant 0 : i32
    %dma_wait3A_288 = tpu.memref_slice %arg6[%dma_wait3A_285, %dma_wait3A_286, %dma_wait3A_287] : memref<3x1024x32xf32, #tpu.memory_space<vmem>> -> memref<1x1024x32xf32, #tpu.memory_space<vmem>>
    %dma_wait3A_289 = tpu.memref_squeeze %dma_wait3A_288 : memref<1x1024x32xf32, #tpu.memory_space<vmem>> -> memref<1024x32xf32, #tpu.memory_space<vmem>>
    %dma_wait3A_290 = arith.constant 5120 : i32
    %dma_wait3A_291 = tpu.memref_slice %arg5[%dma_wait3A_290] : memref<13312xi32, #tpu.memory_space<vmem>> -> memref<1024xi32, #tpu.memory_space<vmem>>
    %dma_wait3A_292 = arith.constant 0 : i32
    %dma_wait3A_293 = arith.constant 0 : i32
    %dma_wait3A_294 = tpu.memref_slice %arg3[%dma_wait3A_292, %dma_wait3A_293] : memref<1000000x32xf32, #tpu.memory_space<hbm>> -> memref<1000000x32xf32, #tpu.memory_space<hbm>>
    tpu.wait_indirect_dma semaphore(%arg9 : memref<!tpu.dma_semaphore, #tpu.memory_space<semaphore_mem>>) src(%dma_wait3A_294 : memref<1000000x32xf32, #tpu.memory_space<hbm>>) dst(%dma_wait3A_289 : memref<1024x32xf32, #tpu.memory_space<vmem>>)
    %add3A_295 = arith.constant 5120 : i32
    %add3A_296 = arith.addi %mul3A_2, %add3A_295 : i32
    %dma_start3A_297 = arith.constant 2 : i32
    %dma_start3A_298 = arith.constant 0 : i32
    %dma_start3A_299 = arith.constant 0 : i32
    %dma_start3A_300 = tpu.memref_slice %arg6[%dma_start3A_297, %dma_start3A_298, %dma_start3A_299] : memref<3x1024x32xf32, #tpu.memory_space<vmem>> -> memref<1x1024x32xf32, #tpu.memory_space<vmem>>
    %dma_start3A_301 = tpu.memref_squeeze %dma_start3A_300 : memref<1x1024x32xf32, #tpu.memory_space<vmem>> -> memref<1024x32xf32, #tpu.memory_space<vmem>>
    %dma_start3A_302 = arith.constant 0 : i32
    %dma_start3A_303 = tpu.memref_slice %arg4[%add3A_296, %dma_start3A_302] : memref<425984x32xf32, #tpu.memory_space<hbm>> -> memref<1024x32xf32, #tpu.memory_space<hbm>>
    %dma_start3A_304 = arith.constant 0 : i32
    %dma_start3A_305 = tpu.memref_slice %arg4[%add3A_296, %dma_start3A_304] : memref<425984x32xf32, #tpu.memory_space<hbm>> -> memref<1024x32xf32, #tpu.memory_space<hbm>>
    %dma_start3A_306 = arith.constant 0 : i32
    %dma_start3A_307 = arith.constant 0 : i32
    %dma_start3A_308 = tpu.memref_slice %arg6[%dma_start3A_297, %dma_start3A_306, %dma_start3A_307] : memref<3x1024x32xf32, #tpu.memory_space<vmem>> -> memref<1x1024x32xf32, #tpu.memory_space<vmem>>
    %dma_start3A_309 = tpu.memref_squeeze %dma_start3A_308 : memref<1x1024x32xf32, #tpu.memory_space<vmem>> -> memref<1024x32xf32, #tpu.memory_space<vmem>>
    tpu.enqueue_dma source(%dma_start3A_309 : memref<1024x32xf32, #tpu.memory_space<vmem>>) target(%dma_start3A_305 : memref<1024x32xf32, #tpu.memory_space<hbm>>) target_semaphore(%arg12 : memref<!tpu.dma_semaphore, #tpu.memory_space<semaphore_mem>>)
    %dma_wait3A_310 = arith.constant 2 : i32
    %dma_wait3A_311 = arith.constant 0 : i32
    %dma_wait3A_312 = arith.constant 0 : i32
    %dma_wait3A_313 = tpu.memref_slice %arg6[%dma_wait3A_310, %dma_wait3A_311, %dma_wait3A_312] : memref<3x1024x32xf32, #tpu.memory_space<vmem>> -> memref<1x1024x32xf32, #tpu.memory_space<vmem>>
    %dma_wait3A_314 = tpu.memref_squeeze %dma_wait3A_313 : memref<1x1024x32xf32, #tpu.memory_space<vmem>> -> memref<1024x32xf32, #tpu.memory_space<vmem>>
    %dma_wait3A_315 = arith.constant 0 : i32
    %dma_wait3A_316 = tpu.memref_slice %arg4[%add3A_296, %dma_wait3A_315] : memref<425984x32xf32, #tpu.memory_space<hbm>> -> memref<1024x32xf32, #tpu.memory_space<hbm>>
    %dma_wait3A_317 = arith.constant 0 : i32
    %dma_wait3A_318 = tpu.memref_slice %arg4[%add3A_296, %dma_wait3A_317] : memref<425984x32xf32, #tpu.memory_space<hbm>> -> memref<1024x32xf32, #tpu.memory_space<hbm>>
    %dma_wait3A_319 = arith.constant 0 : i32
    %dma_wait3A_320 = arith.constant 0 : i32
    %dma_wait3A_321 = tpu.memref_slice %arg6[%dma_wait3A_310, %dma_wait3A_319, %dma_wait3A_320] : memref<3x1024x32xf32, #tpu.memory_space<vmem>> -> memref<1x1024x32xf32, #tpu.memory_space<vmem>>
    %dma_wait3A_322 = tpu.memref_squeeze %dma_wait3A_321 : memref<1x1024x32xf32, #tpu.memory_space<vmem>> -> memref<1024x32xf32, #tpu.memory_space<vmem>>
    tpu.wait_dma2 semaphore(%arg12 : memref<!tpu.dma_semaphore, #tpu.memory_space<semaphore_mem>>) src(%dma_wait3A_322 : memref<1024x32xf32, #tpu.memory_space<vmem>>) dst(%dma_wait3A_318 : memref<1024x32xf32, #tpu.memory_space<hbm>>)
    %dma_start3A_323 = arith.constant 2 : i32
    %dma_start3A_324 = arith.constant 0 : i32
    %dma_start3A_325 = arith.constant 0 : i32
    %dma_start3A_326 = tpu.memref_slice %arg6[%dma_start3A_323, %dma_start3A_324, %dma_start3A_325] : memref<3x1024x32xf32, #tpu.memory_space<vmem>> -> memref<1x1024x32xf32, #tpu.memory_space<vmem>>
    %dma_start3A_327 = tpu.memref_squeeze %dma_start3A_326 : memref<1x1024x32xf32, #tpu.memory_space<vmem>> -> memref<1024x32xf32, #tpu.memory_space<vmem>>
    %dma_start3A_328 = arith.constant 8192 : i32
    %dma_start3A_329 = tpu.memref_slice %arg5[%dma_start3A_328] : memref<13312xi32, #tpu.memory_space<vmem>> -> memref<1024xi32, #tpu.memory_space<vmem>>
    %dma_start3A_330 = arith.constant 0 : i32
    %dma_start3A_331 = arith.constant 0 : i32
    %dma_start3A_332 = tpu.memref_slice %arg3[%dma_start3A_330, %dma_start3A_331] : memref<1000000x32xf32, #tpu.memory_space<hbm>> -> memref<1000000x32xf32, #tpu.memory_space<hbm>>
    tpu.enqueue_indirect_dma source(%dma_start3A_332 : memref<1000000x32xf32, #tpu.memory_space<hbm>>) target(%dma_start3A_327 : memref<1024x32xf32, #tpu.memory_space<vmem>>) offsets(%dma_start3A_329 : memref<1024xi32, #tpu.memory_space<vmem>>) semaphore(%arg9 : memref<!tpu.dma_semaphore, #tpu.memory_space<semaphore_mem>>)
    %dma_wait3A_333 = arith.constant 0 : i32
    %dma_wait3A_334 = arith.constant 0 : i32
    %dma_wait3A_335 = arith.constant 0 : i32
    %dma_wait3A_336 = tpu.memref_slice %arg6[%dma_wait3A_333, %dma_wait3A_334, %dma_wait3A_335] : memref<3x1024x32xf32, #tpu.memory_space<vmem>> -> memref<1x1024x32xf32, #tpu.memory_space<vmem>>
    %dma_wait3A_337 = tpu.memref_squeeze %dma_wait3A_336 : memref<1x1024x32xf32, #tpu.memory_space<vmem>> -> memref<1024x32xf32, #tpu.memory_space<vmem>>
    %dma_wait3A_338 = arith.constant 6144 : i32
    %dma_wait3A_339 = tpu.memref_slice %arg5[%dma_wait3A_338] : memref<13312xi32, #tpu.memory_space<vmem>> -> memref<1024xi32, #tpu.memory_space<vmem>>
    %dma_wait3A_340 = arith.constant 0 : i32
    %dma_wait3A_341 = arith.constant 0 : i32
    %dma_wait3A_342 = tpu.memref_slice %arg3[%dma_wait3A_340, %dma_wait3A_341] : memref<1000000x32xf32, #tpu.memory_space<hbm>> -> memref<1000000x32xf32, #tpu.memory_space<hbm>>
    tpu.wait_indirect_dma semaphore(%arg7 : memref<!tpu.dma_semaphore, #tpu.memory_space<semaphore_mem>>) src(%dma_wait3A_342 : memref<1000000x32xf32, #tpu.memory_space<hbm>>) dst(%dma_wait3A_337 : memref<1024x32xf32, #tpu.memory_space<vmem>>)
    %add3A_343 = arith.constant 6144 : i32
    %add3A_344 = arith.addi %mul3A_2, %add3A_343 : i32
    %dma_start3A_345 = arith.constant 0 : i32
    %dma_start3A_346 = arith.constant 0 : i32
    %dma_start3A_347 = arith.constant 0 : i32
    %dma_start3A_348 = tpu.memref_slice %arg6[%dma_start3A_345, %dma_start3A_346, %dma_start3A_347] : memref<3x1024x32xf32, #tpu.memory_space<vmem>> -> memref<1x1024x32xf32, #tpu.memory_space<vmem>>
    %dma_start3A_349 = tpu.memref_squeeze %dma_start3A_348 : memref<1x1024x32xf32, #tpu.memory_space<vmem>> -> memref<1024x32xf32, #tpu.memory_space<vmem>>
    %dma_start3A_350 = arith.constant 0 : i32
    %dma_start3A_351 = tpu.memref_slice %arg4[%add3A_344, %dma_start3A_350] : memref<425984x32xf32, #tpu.memory_space<hbm>> -> memref<1024x32xf32, #tpu.memory_space<hbm>>
    %dma_start3A_352 = arith.constant 0 : i32
    %dma_start3A_353 = tpu.memref_slice %arg4[%add3A_344, %dma_start3A_352] : memref<425984x32xf32, #tpu.memory_space<hbm>> -> memref<1024x32xf32, #tpu.memory_space<hbm>>
    %dma_start3A_354 = arith.constant 0 : i32
    %dma_start3A_355 = arith.constant 0 : i32
    %dma_start3A_356 = tpu.memref_slice %arg6[%dma_start3A_345, %dma_start3A_354, %dma_start3A_355] : memref<3x1024x32xf32, #tpu.memory_space<vmem>> -> memref<1x1024x32xf32, #tpu.memory_space<vmem>>
    %dma_start3A_357 = tpu.memref_squeeze %dma_start3A_356 : memref<1x1024x32xf32, #tpu.memory_space<vmem>> -> memref<1024x32xf32, #tpu.memory_space<vmem>>
    tpu.enqueue_dma source(%dma_start3A_357 : memref<1024x32xf32, #tpu.memory_space<vmem>>) target(%dma_start3A_353 : memref<1024x32xf32, #tpu.memory_space<hbm>>) target_semaphore(%arg10 : memref<!tpu.dma_semaphore, #tpu.memory_space<semaphore_mem>>)
    %dma_wait3A_358 = arith.constant 0 : i32
    %dma_wait3A_359 = arith.constant 0 : i32
    %dma_wait3A_360 = arith.constant 0 : i32
    %dma_wait3A_361 = tpu.memref_slice %arg6[%dma_wait3A_358, %dma_wait3A_359, %dma_wait3A_360] : memref<3x1024x32xf32, #tpu.memory_space<vmem>> -> memref<1x1024x32xf32, #tpu.memory_space<vmem>>
    %dma_wait3A_362 = tpu.memref_squeeze %dma_wait3A_361 : memref<1x1024x32xf32, #tpu.memory_space<vmem>> -> memref<1024x32xf32, #tpu.memory_space<vmem>>
    %dma_wait3A_363 = arith.constant 0 : i32
    %dma_wait3A_364 = tpu.memref_slice %arg4[%add3A_344, %dma_wait3A_363] : memref<425984x32xf32, #tpu.memory_space<hbm>> -> memref<1024x32xf32, #tpu.memory_space<hbm>>
    %dma_wait3A_365 = arith.constant 0 : i32
    %dma_wait3A_366 = tpu.memref_slice %arg4[%add3A_344, %dma_wait3A_365] : memref<425984x32xf32, #tpu.memory_space<hbm>> -> memref<1024x32xf32, #tpu.memory_space<hbm>>
    %dma_wait3A_367 = arith.constant 0 : i32
    %dma_wait3A_368 = arith.constant 0 : i32
    %dma_wait3A_369 = tpu.memref_slice %arg6[%dma_wait3A_358, %dma_wait3A_367, %dma_wait3A_368] : memref<3x1024x32xf32, #tpu.memory_space<vmem>> -> memref<1x1024x32xf32, #tpu.memory_space<vmem>>
    %dma_wait3A_370 = tpu.memref_squeeze %dma_wait3A_369 : memref<1x1024x32xf32, #tpu.memory_space<vmem>> -> memref<1024x32xf32, #tpu.memory_space<vmem>>
    tpu.wait_dma2 semaphore(%arg10 : memref<!tpu.dma_semaphore, #tpu.memory_space<semaphore_mem>>) src(%dma_wait3A_370 : memref<1024x32xf32, #tpu.memory_space<vmem>>) dst(%dma_wait3A_366 : memref<1024x32xf32, #tpu.memory_space<hbm>>)
    %dma_start3A_371 = arith.constant 0 : i32
    %dma_start3A_372 = arith.constant 0 : i32
    %dma_start3A_373 = arith.constant 0 : i32
    %dma_start3A_374 = tpu.memref_slice %arg6[%dma_start3A_371, %dma_start3A_372, %dma_start3A_373] : memref<3x1024x32xf32, #tpu.memory_space<vmem>> -> memref<1x1024x32xf32, #tpu.memory_space<vmem>>
    %dma_start3A_375 = tpu.memref_squeeze %dma_start3A_374 : memref<1x1024x32xf32, #tpu.memory_space<vmem>> -> memref<1024x32xf32, #tpu.memory_space<vmem>>
    %dma_start3A_376 = arith.constant 9216 : i32
    %dma_start3A_377 = tpu.memref_slice %arg5[%dma_start3A_376] : memref<13312xi32, #tpu.memory_space<vmem>> -> memref<1024xi32, #tpu.memory_space<vmem>>
    %dma_start3A_378 = arith.constant 0 : i32
    %dma_start3A_379 = arith.constant 0 : i32
    %dma_start3A_380 = tpu.memref_slice %arg3[%dma_start3A_378, %dma_start3A_379] : memref<1000000x32xf32, #tpu.memory_space<hbm>> -> memref<1000000x32xf32, #tpu.memory_space<hbm>>
    tpu.enqueue_indirect_dma source(%dma_start3A_380 : memref<1000000x32xf32, #tpu.memory_space<hbm>>) target(%dma_start3A_375 : memref<1024x32xf32, #tpu.memory_space<vmem>>) offsets(%dma_start3A_377 : memref<1024xi32, #tpu.memory_space<vmem>>) semaphore(%arg7 : memref<!tpu.dma_semaphore, #tpu.memory_space<semaphore_mem>>)
    %dma_wait3A_381 = arith.constant 1 : i32
    %dma_wait3A_382 = arith.constant 0 : i32
    %dma_wait3A_383 = arith.constant 0 : i32
    %dma_wait3A_384 = tpu.memref_slice %arg6[%dma_wait3A_381, %dma_wait3A_382, %dma_wait3A_383] : memref<3x1024x32xf32, #tpu.memory_space<vmem>> -> memref<1x1024x32xf32, #tpu.memory_space<vmem>>
    %dma_wait3A_385 = tpu.memref_squeeze %dma_wait3A_384 : memref<1x1024x32xf32, #tpu.memory_space<vmem>> -> memref<1024x32xf32, #tpu.memory_space<vmem>>
    %dma_wait3A_386 = arith.constant 7168 : i32
    %dma_wait3A_387 = tpu.memref_slice %arg5[%dma_wait3A_386] : memref<13312xi32, #tpu.memory_space<vmem>> -> memref<1024xi32, #tpu.memory_space<vmem>>
    %dma_wait3A_388 = arith.constant 0 : i32
    %dma_wait3A_389 = arith.constant 0 : i32
    %dma_wait3A_390 = tpu.memref_slice %arg3[%dma_wait3A_388, %dma_wait3A_389] : memref<1000000x32xf32, #tpu.memory_space<hbm>> -> memref<1000000x32xf32, #tpu.memory_space<hbm>>
    tpu.wait_indirect_dma semaphore(%arg8 : memref<!tpu.dma_semaphore, #tpu.memory_space<semaphore_mem>>) src(%dma_wait3A_390 : memref<1000000x32xf32, #tpu.memory_space<hbm>>) dst(%dma_wait3A_385 : memref<1024x32xf32, #tpu.memory_space<vmem>>)
    %add3A_391 = arith.constant 7168 : i32
    %add3A_392 = arith.addi %mul3A_2, %add3A_391 : i32
    %dma_start3A_393 = arith.constant 1 : i32
    %dma_start3A_394 = arith.constant 0 : i32
    %dma_start3A_395 = arith.constant 0 : i32
    %dma_start3A_396 = tpu.memref_slice %arg6[%dma_start3A_393, %dma_start3A_394, %dma_start3A_395] : memref<3x1024x32xf32, #tpu.memory_space<vmem>> -> memref<1x1024x32xf32, #tpu.memory_space<vmem>>
    %dma_start3A_397 = tpu.memref_squeeze %dma_start3A_396 : memref<1x1024x32xf32, #tpu.memory_space<vmem>> -> memref<1024x32xf32, #tpu.memory_space<vmem>>
    %dma_start3A_398 = arith.constant 0 : i32
    %dma_start3A_399 = tpu.memref_slice %arg4[%add3A_392, %dma_start3A_398] : memref<425984x32xf32, #tpu.memory_space<hbm>> -> memref<1024x32xf32, #tpu.memory_space<hbm>>
    %dma_start3A_400 = arith.constant 0 : i32
    %dma_start3A_401 = tpu.memref_slice %arg4[%add3A_392, %dma_start3A_400] : memref<425984x32xf32, #tpu.memory_space<hbm>> -> memref<1024x32xf32, #tpu.memory_space<hbm>>
    %dma_start3A_402 = arith.constant 0 : i32
    %dma_start3A_403 = arith.constant 0 : i32
    %dma_start3A_404 = tpu.memref_slice %arg6[%dma_start3A_393, %dma_start3A_402, %dma_start3A_403] : memref<3x1024x32xf32, #tpu.memory_space<vmem>> -> memref<1x1024x32xf32, #tpu.memory_space<vmem>>
    %dma_start3A_405 = tpu.memref_squeeze %dma_start3A_404 : memref<1x1024x32xf32, #tpu.memory_space<vmem>> -> memref<1024x32xf32, #tpu.memory_space<vmem>>
    tpu.enqueue_dma source(%dma_start3A_405 : memref<1024x32xf32, #tpu.memory_space<vmem>>) target(%dma_start3A_401 : memref<1024x32xf32, #tpu.memory_space<hbm>>) target_semaphore(%arg11 : memref<!tpu.dma_semaphore, #tpu.memory_space<semaphore_mem>>)
    %dma_wait3A_406 = arith.constant 1 : i32
    %dma_wait3A_407 = arith.constant 0 : i32
    %dma_wait3A_408 = arith.constant 0 : i32
    %dma_wait3A_409 = tpu.memref_slice %arg6[%dma_wait3A_406, %dma_wait3A_407, %dma_wait3A_408] : memref<3x1024x32xf32, #tpu.memory_space<vmem>> -> memref<1x1024x32xf32, #tpu.memory_space<vmem>>
    %dma_wait3A_410 = tpu.memref_squeeze %dma_wait3A_409 : memref<1x1024x32xf32, #tpu.memory_space<vmem>> -> memref<1024x32xf32, #tpu.memory_space<vmem>>
    %dma_wait3A_411 = arith.constant 0 : i32
    %dma_wait3A_412 = tpu.memref_slice %arg4[%add3A_392, %dma_wait3A_411] : memref<425984x32xf32, #tpu.memory_space<hbm>> -> memref<1024x32xf32, #tpu.memory_space<hbm>>
    %dma_wait3A_413 = arith.constant 0 : i32
    %dma_wait3A_414 = tpu.memref_slice %arg4[%add3A_392, %dma_wait3A_413] : memref<425984x32xf32, #tpu.memory_space<hbm>> -> memref<1024x32xf32, #tpu.memory_space<hbm>>
    %dma_wait3A_415 = arith.constant 0 : i32
    %dma_wait3A_416 = arith.constant 0 : i32
    %dma_wait3A_417 = tpu.memref_slice %arg6[%dma_wait3A_406, %dma_wait3A_415, %dma_wait3A_416] : memref<3x1024x32xf32, #tpu.memory_space<vmem>> -> memref<1x1024x32xf32, #tpu.memory_space<vmem>>
    %dma_wait3A_418 = tpu.memref_squeeze %dma_wait3A_417 : memref<1x1024x32xf32, #tpu.memory_space<vmem>> -> memref<1024x32xf32, #tpu.memory_space<vmem>>
    tpu.wait_dma2 semaphore(%arg11 : memref<!tpu.dma_semaphore, #tpu.memory_space<semaphore_mem>>) src(%dma_wait3A_418 : memref<1024x32xf32, #tpu.memory_space<vmem>>) dst(%dma_wait3A_414 : memref<1024x32xf32, #tpu.memory_space<hbm>>)
    %dma_start3A_419 = arith.constant 1 : i32
    %dma_start3A_420 = arith.constant 0 : i32
    %dma_start3A_421 = arith.constant 0 : i32
    %dma_start3A_422 = tpu.memref_slice %arg6[%dma_start3A_419, %dma_start3A_420, %dma_start3A_421] : memref<3x1024x32xf32, #tpu.memory_space<vmem>> -> memref<1x1024x32xf32, #tpu.memory_space<vmem>>
    %dma_start3A_423 = tpu.memref_squeeze %dma_start3A_422 : memref<1x1024x32xf32, #tpu.memory_space<vmem>> -> memref<1024x32xf32, #tpu.memory_space<vmem>>
    %dma_start3A_424 = arith.constant 10240 : i32
    %dma_start3A_425 = tpu.memref_slice %arg5[%dma_start3A_424] : memref<13312xi32, #tpu.memory_space<vmem>> -> memref<1024xi32, #tpu.memory_space<vmem>>
    %dma_start3A_426 = arith.constant 0 : i32
    %dma_start3A_427 = arith.constant 0 : i32
    %dma_start3A_428 = tpu.memref_slice %arg3[%dma_start3A_426, %dma_start3A_427] : memref<1000000x32xf32, #tpu.memory_space<hbm>> -> memref<1000000x32xf32, #tpu.memory_space<hbm>>
    tpu.enqueue_indirect_dma source(%dma_start3A_428 : memref<1000000x32xf32, #tpu.memory_space<hbm>>) target(%dma_start3A_423 : memref<1024x32xf32, #tpu.memory_space<vmem>>) offsets(%dma_start3A_425 : memref<1024xi32, #tpu.memory_space<vmem>>) semaphore(%arg8 : memref<!tpu.dma_semaphore, #tpu.memory_space<semaphore_mem>>)
    %dma_wait3A_429 = arith.constant 2 : i32
    %dma_wait3A_430 = arith.constant 0 : i32
    %dma_wait3A_431 = arith.constant 0 : i32
    %dma_wait3A_432 = tpu.memref_slice %arg6[%dma_wait3A_429, %dma_wait3A_430, %dma_wait3A_431] : memref<3x1024x32xf32, #tpu.memory_space<vmem>> -> memref<1x1024x32xf32, #tpu.memory_space<vmem>>
    %dma_wait3A_433 = tpu.memref_squeeze %dma_wait3A_432 : memref<1x1024x32xf32, #tpu.memory_space<vmem>> -> memref<1024x32xf32, #tpu.memory_space<vmem>>
    %dma_wait3A_434 = arith.constant 8192 : i32
    %dma_wait3A_435 = tpu.memref_slice %arg5[%dma_wait3A_434] : memref<13312xi32, #tpu.memory_space<vmem>> -> memref<1024xi32, #tpu.memory_space<vmem>>
    %dma_wait3A_436 = arith.constant 0 : i32
    %dma_wait3A_437 = arith.constant 0 : i32
    %dma_wait3A_438 = tpu.memref_slice %arg3[%dma_wait3A_436, %dma_wait3A_437] : memref<1000000x32xf32, #tpu.memory_space<hbm>> -> memref<1000000x32xf32, #tpu.memory_space<hbm>>
    tpu.wait_indirect_dma semaphore(%arg9 : memref<!tpu.dma_semaphore, #tpu.memory_space<semaphore_mem>>) src(%dma_wait3A_438 : memref<1000000x32xf32, #tpu.memory_space<hbm>>) dst(%dma_wait3A_433 : memref<1024x32xf32, #tpu.memory_space<vmem>>)
    %add3A_439 = arith.constant 8192 : i32
    %add3A_440 = arith.addi %mul3A_2, %add3A_439 : i32
    %dma_start3A_441 = arith.constant 2 : i32
    %dma_start3A_442 = arith.constant 0 : i32
    %dma_start3A_443 = arith.constant 0 : i32
    %dma_start3A_444 = tpu.memref_slice %arg6[%dma_start3A_441, %dma_start3A_442, %dma_start3A_443] : memref<3x1024x32xf32, #tpu.memory_space<vmem>> -> memref<1x1024x32xf32, #tpu.memory_space<vmem>>
    %dma_start3A_445 = tpu.memref_squeeze %dma_start3A_444 : memref<1x1024x32xf32, #tpu.memory_space<vmem>> -> memref<1024x32xf32, #tpu.memory_space<vmem>>
    %dma_start3A_446 = arith.constant 0 : i32
    %dma_start3A_447 = tpu.memref_slice %arg4[%add3A_440, %dma_start3A_446] : memref<425984x32xf32, #tpu.memory_space<hbm>> -> memref<1024x32xf32, #tpu.memory_space<hbm>>
    %dma_start3A_448 = arith.constant 0 : i32
    %dma_start3A_449 = tpu.memref_slice %arg4[%add3A_440, %dma_start3A_448] : memref<425984x32xf32, #tpu.memory_space<hbm>> -> memref<1024x32xf32, #tpu.memory_space<hbm>>
    %dma_start3A_450 = arith.constant 0 : i32
    %dma_start3A_451 = arith.constant 0 : i32
    %dma_start3A_452 = tpu.memref_slice %arg6[%dma_start3A_441, %dma_start3A_450, %dma_start3A_451] : memref<3x1024x32xf32, #tpu.memory_space<vmem>> -> memref<1x1024x32xf32, #tpu.memory_space<vmem>>
    %dma_start3A_453 = tpu.memref_squeeze %dma_start3A_452 : memref<1x1024x32xf32, #tpu.memory_space<vmem>> -> memref<1024x32xf32, #tpu.memory_space<vmem>>
    tpu.enqueue_dma source(%dma_start3A_453 : memref<1024x32xf32, #tpu.memory_space<vmem>>) target(%dma_start3A_449 : memref<1024x32xf32, #tpu.memory_space<hbm>>) target_semaphore(%arg12 : memref<!tpu.dma_semaphore, #tpu.memory_space<semaphore_mem>>)
    %dma_wait3A_454 = arith.constant 2 : i32
    %dma_wait3A_455 = arith.constant 0 : i32
    %dma_wait3A_456 = arith.constant 0 : i32
    %dma_wait3A_457 = tpu.memref_slice %arg6[%dma_wait3A_454, %dma_wait3A_455, %dma_wait3A_456] : memref<3x1024x32xf32, #tpu.memory_space<vmem>> -> memref<1x1024x32xf32, #tpu.memory_space<vmem>>
    %dma_wait3A_458 = tpu.memref_squeeze %dma_wait3A_457 : memref<1x1024x32xf32, #tpu.memory_space<vmem>> -> memref<1024x32xf32, #tpu.memory_space<vmem>>
    %dma_wait3A_459 = arith.constant 0 : i32
    %dma_wait3A_460 = tpu.memref_slice %arg4[%add3A_440, %dma_wait3A_459] : memref<425984x32xf32, #tpu.memory_space<hbm>> -> memref<1024x32xf32, #tpu.memory_space<hbm>>
    %dma_wait3A_461 = arith.constant 0 : i32
    %dma_wait3A_462 = tpu.memref_slice %arg4[%add3A_440, %dma_wait3A_461] : memref<425984x32xf32, #tpu.memory_space<hbm>> -> memref<1024x32xf32, #tpu.memory_space<hbm>>
    %dma_wait3A_463 = arith.constant 0 : i32
    %dma_wait3A_464 = arith.constant 0 : i32
    %dma_wait3A_465 = tpu.memref_slice %arg6[%dma_wait3A_454, %dma_wait3A_463, %dma_wait3A_464] : memref<3x1024x32xf32, #tpu.memory_space<vmem>> -> memref<1x1024x32xf32, #tpu.memory_space<vmem>>
    %dma_wait3A_466 = tpu.memref_squeeze %dma_wait3A_465 : memref<1x1024x32xf32, #tpu.memory_space<vmem>> -> memref<1024x32xf32, #tpu.memory_space<vmem>>
    tpu.wait_dma2 semaphore(%arg12 : memref<!tpu.dma_semaphore, #tpu.memory_space<semaphore_mem>>) src(%dma_wait3A_466 : memref<1024x32xf32, #tpu.memory_space<vmem>>) dst(%dma_wait3A_462 : memref<1024x32xf32, #tpu.memory_space<hbm>>)
    %dma_start3A_467 = arith.constant 2 : i32
    %dma_start3A_468 = arith.constant 0 : i32
    %dma_start3A_469 = arith.constant 0 : i32
    %dma_start3A_470 = tpu.memref_slice %arg6[%dma_start3A_467, %dma_start3A_468, %dma_start3A_469] : memref<3x1024x32xf32, #tpu.memory_space<vmem>> -> memref<1x1024x32xf32, #tpu.memory_space<vmem>>
    %dma_start3A_471 = tpu.memref_squeeze %dma_start3A_470 : memref<1x1024x32xf32, #tpu.memory_space<vmem>> -> memref<1024x32xf32, #tpu.memory_space<vmem>>
    %dma_start3A_472 = arith.constant 11264 : i32
    %dma_start3A_473 = tpu.memref_slice %arg5[%dma_start3A_472] : memref<13312xi32, #tpu.memory_space<vmem>> -> memref<1024xi32, #tpu.memory_space<vmem>>
    %dma_start3A_474 = arith.constant 0 : i32
    %dma_start3A_475 = arith.constant 0 : i32
    %dma_start3A_476 = tpu.memref_slice %arg3[%dma_start3A_474, %dma_start3A_475] : memref<1000000x32xf32, #tpu.memory_space<hbm>> -> memref<1000000x32xf32, #tpu.memory_space<hbm>>
    tpu.enqueue_indirect_dma source(%dma_start3A_476 : memref<1000000x32xf32, #tpu.memory_space<hbm>>) target(%dma_start3A_471 : memref<1024x32xf32, #tpu.memory_space<vmem>>) offsets(%dma_start3A_473 : memref<1024xi32, #tpu.memory_space<vmem>>) semaphore(%arg9 : memref<!tpu.dma_semaphore, #tpu.memory_space<semaphore_mem>>)
    %dma_wait3A_477 = arith.constant 0 : i32
    %dma_wait3A_478 = arith.constant 0 : i32
    %dma_wait3A_479 = arith.constant 0 : i32
    %dma_wait3A_480 = tpu.memref_slice %arg6[%dma_wait3A_477, %dma_wait3A_478, %dma_wait3A_479] : memref<3x1024x32xf32, #tpu.memory_space<vmem>> -> memref<1x1024x32xf32, #tpu.memory_space<vmem>>
    %dma_wait3A_481 = tpu.memref_squeeze %dma_wait3A_480 : memref<1x1024x32xf32, #tpu.memory_space<vmem>> -> memref<1024x32xf32, #tpu.memory_space<vmem>>
    %dma_wait3A_482 = arith.constant 9216 : i32
    %dma_wait3A_483 = tpu.memref_slice %arg5[%dma_wait3A_482] : memref<13312xi32, #tpu.memory_space<vmem>> -> memref<1024xi32, #tpu.memory_space<vmem>>
    %dma_wait3A_484 = arith.constant 0 : i32
    %dma_wait3A_485 = arith.constant 0 : i32
    %dma_wait3A_486 = tpu.memref_slice %arg3[%dma_wait3A_484, %dma_wait3A_485] : memref<1000000x32xf32, #tpu.memory_space<hbm>> -> memref<1000000x32xf32, #tpu.memory_space<hbm>>
    tpu.wait_indirect_dma semaphore(%arg7 : memref<!tpu.dma_semaphore, #tpu.memory_space<semaphore_mem>>) src(%dma_wait3A_486 : memref<1000000x32xf32, #tpu.memory_space<hbm>>) dst(%dma_wait3A_481 : memref<1024x32xf32, #tpu.memory_space<vmem>>)
    %add3A_487 = arith.constant 9216 : i32
    %add3A_488 = arith.addi %mul3A_2, %add3A_487 : i32
    %dma_start3A_489 = arith.constant 0 : i32
    %dma_start3A_490 = arith.constant 0 : i32
    %dma_start3A_491 = arith.constant 0 : i32
    %dma_start3A_492 = tpu.memref_slice %arg6[%dma_start3A_489, %dma_start3A_490, %dma_start3A_491] : memref<3x1024x32xf32, #tpu.memory_space<vmem>> -> memref<1x1024x32xf32, #tpu.memory_space<vmem>>
    %dma_start3A_493 = tpu.memref_squeeze %dma_start3A_492 : memref<1x1024x32xf32, #tpu.memory_space<vmem>> -> memref<1024x32xf32, #tpu.memory_space<vmem>>
    %dma_start3A_494 = arith.constant 0 : i32
    %dma_start3A_495 = tpu.memref_slice %arg4[%add3A_488, %dma_start3A_494] : memref<425984x32xf32, #tpu.memory_space<hbm>> -> memref<1024x32xf32, #tpu.memory_space<hbm>>
    %dma_start3A_496 = arith.constant 0 : i32
    %dma_start3A_497 = tpu.memref_slice %arg4[%add3A_488, %dma_start3A_496] : memref<425984x32xf32, #tpu.memory_space<hbm>> -> memref<1024x32xf32, #tpu.memory_space<hbm>>
    %dma_start3A_498 = arith.constant 0 : i32
    %dma_start3A_499 = arith.constant 0 : i32
    %dma_start3A_500 = tpu.memref_slice %arg6[%dma_start3A_489, %dma_start3A_498, %dma_start3A_499] : memref<3x1024x32xf32, #tpu.memory_space<vmem>> -> memref<1x1024x32xf32, #tpu.memory_space<vmem>>
    %dma_start3A_501 = tpu.memref_squeeze %dma_start3A_500 : memref<1x1024x32xf32, #tpu.memory_space<vmem>> -> memref<1024x32xf32, #tpu.memory_space<vmem>>
    tpu.enqueue_dma source(%dma_start3A_501 : memref<1024x32xf32, #tpu.memory_space<vmem>>) target(%dma_start3A_497 : memref<1024x32xf32, #tpu.memory_space<hbm>>) target_semaphore(%arg10 : memref<!tpu.dma_semaphore, #tpu.memory_space<semaphore_mem>>)
    %dma_wait3A_502 = arith.constant 0 : i32
    %dma_wait3A_503 = arith.constant 0 : i32
    %dma_wait3A_504 = arith.constant 0 : i32
    %dma_wait3A_505 = tpu.memref_slice %arg6[%dma_wait3A_502, %dma_wait3A_503, %dma_wait3A_504] : memref<3x1024x32xf32, #tpu.memory_space<vmem>> -> memref<1x1024x32xf32, #tpu.memory_space<vmem>>
    %dma_wait3A_506 = tpu.memref_squeeze %dma_wait3A_505 : memref<1x1024x32xf32, #tpu.memory_space<vmem>> -> memref<1024x32xf32, #tpu.memory_space<vmem>>
    %dma_wait3A_507 = arith.constant 0 : i32
    %dma_wait3A_508 = tpu.memref_slice %arg4[%add3A_488, %dma_wait3A_507] : memref<425984x32xf32, #tpu.memory_space<hbm>> -> memref<1024x32xf32, #tpu.memory_space<hbm>>
    %dma_wait3A_509 = arith.constant 0 : i32
    %dma_wait3A_510 = tpu.memref_slice %arg4[%add3A_488, %dma_wait3A_509] : memref<425984x32xf32, #tpu.memory_space<hbm>> -> memref<1024x32xf32, #tpu.memory_space<hbm>>
    %dma_wait3A_511 = arith.constant 0 : i32
    %dma_wait3A_512 = arith.constant 0 : i32
    %dma_wait3A_513 = tpu.memref_slice %arg6[%dma_wait3A_502, %dma_wait3A_511, %dma_wait3A_512] : memref<3x1024x32xf32, #tpu.memory_space<vmem>> -> memref<1x1024x32xf32, #tpu.memory_space<vmem>>
    %dma_wait3A_514 = tpu.memref_squeeze %dma_wait3A_513 : memref<1x1024x32xf32, #tpu.memory_space<vmem>> -> memref<1024x32xf32, #tpu.memory_space<vmem>>
    tpu.wait_dma2 semaphore(%arg10 : memref<!tpu.dma_semaphore, #tpu.memory_space<semaphore_mem>>) src(%dma_wait3A_514 : memref<1024x32xf32, #tpu.memory_space<vmem>>) dst(%dma_wait3A_510 : memref<1024x32xf32, #tpu.memory_space<hbm>>)
    %dma_start3A_515 = arith.constant 0 : i32
    %dma_start3A_516 = arith.constant 0 : i32
    %dma_start3A_517 = arith.constant 0 : i32
    %dma_start3A_518 = tpu.memref_slice %arg6[%dma_start3A_515, %dma_start3A_516, %dma_start3A_517] : memref<3x1024x32xf32, #tpu.memory_space<vmem>> -> memref<1x1024x32xf32, #tpu.memory_space<vmem>>
    %dma_start3A_519 = tpu.memref_squeeze %dma_start3A_518 : memref<1x1024x32xf32, #tpu.memory_space<vmem>> -> memref<1024x32xf32, #tpu.memory_space<vmem>>
    %dma_start3A_520 = arith.constant 12288 : i32
    %dma_start3A_521 = tpu.memref_slice %arg5[%dma_start3A_520] : memref<13312xi32, #tpu.memory_space<vmem>> -> memref<1024xi32, #tpu.memory_space<vmem>>
    %dma_start3A_522 = arith.constant 0 : i32
    %dma_start3A_523 = arith.constant 0 : i32
    %dma_start3A_524 = tpu.memref_slice %arg3[%dma_start3A_522, %dma_start3A_523] : memref<1000000x32xf32, #tpu.memory_space<hbm>> -> memref<1000000x32xf32, #tpu.memory_space<hbm>>
    tpu.enqueue_indirect_dma source(%dma_start3A_524 : memref<1000000x32xf32, #tpu.memory_space<hbm>>) target(%dma_start3A_519 : memref<1024x32xf32, #tpu.memory_space<vmem>>) offsets(%dma_start3A_521 : memref<1024xi32, #tpu.memory_space<vmem>>) semaphore(%arg7 : memref<!tpu.dma_semaphore, #tpu.memory_space<semaphore_mem>>)
    %dma_wait3A_525 = arith.constant 1 : i32
    %dma_wait3A_526 = arith.constant 0 : i32
    %dma_wait3A_527 = arith.constant 0 : i32
    %dma_wait3A_528 = tpu.memref_slice %arg6[%dma_wait3A_525, %dma_wait3A_526, %dma_wait3A_527] : memref<3x1024x32xf32, #tpu.memory_space<vmem>> -> memref<1x1024x32xf32, #tpu.memory_space<vmem>>
    %dma_wait3A_529 = tpu.memref_squeeze %dma_wait3A_528 : memref<1x1024x32xf32, #tpu.memory_space<vmem>> -> memref<1024x32xf32, #tpu.memory_space<vmem>>
    %dma_wait3A_530 = arith.constant 10240 : i32
    %dma_wait3A_531 = tpu.memref_slice %arg5[%dma_wait3A_530] : memref<13312xi32, #tpu.memory_space<vmem>> -> memref<1024xi32, #tpu.memory_space<vmem>>
    %dma_wait3A_532 = arith.constant 0 : i32
    %dma_wait3A_533 = arith.constant 0 : i32
    %dma_wait3A_534 = tpu.memref_slice %arg3[%dma_wait3A_532, %dma_wait3A_533] : memref<1000000x32xf32, #tpu.memory_space<hbm>> -> memref<1000000x32xf32, #tpu.memory_space<hbm>>
    tpu.wait_indirect_dma semaphore(%arg8 : memref<!tpu.dma_semaphore, #tpu.memory_space<semaphore_mem>>) src(%dma_wait3A_534 : memref<1000000x32xf32, #tpu.memory_space<hbm>>) dst(%dma_wait3A_529 : memref<1024x32xf32, #tpu.memory_space<vmem>>)
    %add3A_535 = arith.constant 10240 : i32
    %add3A_536 = arith.addi %mul3A_2, %add3A_535 : i32
    %dma_start3A_537 = arith.constant 1 : i32
    %dma_start3A_538 = arith.constant 0 : i32
    %dma_start3A_539 = arith.constant 0 : i32
    %dma_start3A_540 = tpu.memref_slice %arg6[%dma_start3A_537, %dma_start3A_538, %dma_start3A_539] : memref<3x1024x32xf32, #tpu.memory_space<vmem>> -> memref<1x1024x32xf32, #tpu.memory_space<vmem>>
    %dma_start3A_541 = tpu.memref_squeeze %dma_start3A_540 : memref<1x1024x32xf32, #tpu.memory_space<vmem>> -> memref<1024x32xf32, #tpu.memory_space<vmem>>
    %dma_start3A_542 = arith.constant 0 : i32
    %dma_start3A_543 = tpu.memref_slice %arg4[%add3A_536, %dma_start3A_542] : memref<425984x32xf32, #tpu.memory_space<hbm>> -> memref<1024x32xf32, #tpu.memory_space<hbm>>
    %dma_start3A_544 = arith.constant 0 : i32
    %dma_start3A_545 = tpu.memref_slice %arg4[%add3A_536, %dma_start3A_544] : memref<425984x32xf32, #tpu.memory_space<hbm>> -> memref<1024x32xf32, #tpu.memory_space<hbm>>
    %dma_start3A_546 = arith.constant 0 : i32
    %dma_start3A_547 = arith.constant 0 : i32
    %dma_start3A_548 = tpu.memref_slice %arg6[%dma_start3A_537, %dma_start3A_546, %dma_start3A_547] : memref<3x1024x32xf32, #tpu.memory_space<vmem>> -> memref<1x1024x32xf32, #tpu.memory_space<vmem>>
    %dma_start3A_549 = tpu.memref_squeeze %dma_start3A_548 : memref<1x1024x32xf32, #tpu.memory_space<vmem>> -> memref<1024x32xf32, #tpu.memory_space<vmem>>
    tpu.enqueue_dma source(%dma_start3A_549 : memref<1024x32xf32, #tpu.memory_space<vmem>>) target(%dma_start3A_545 : memref<1024x32xf32, #tpu.memory_space<hbm>>) target_semaphore(%arg11 : memref<!tpu.dma_semaphore, #tpu.memory_space<semaphore_mem>>)
    %dma_wait3A_550 = arith.constant 2 : i32
    %dma_wait3A_551 = arith.constant 0 : i32
    %dma_wait3A_552 = arith.constant 0 : i32
    %dma_wait3A_553 = tpu.memref_slice %arg6[%dma_wait3A_550, %dma_wait3A_551, %dma_wait3A_552] : memref<3x1024x32xf32, #tpu.memory_space<vmem>> -> memref<1x1024x32xf32, #tpu.memory_space<vmem>>
    %dma_wait3A_554 = tpu.memref_squeeze %dma_wait3A_553 : memref<1x1024x32xf32, #tpu.memory_space<vmem>> -> memref<1024x32xf32, #tpu.memory_space<vmem>>
    %dma_wait3A_555 = arith.constant 11264 : i32
    %dma_wait3A_556 = tpu.memref_slice %arg5[%dma_wait3A_555] : memref<13312xi32, #tpu.memory_space<vmem>> -> memref<1024xi32, #tpu.memory_space<vmem>>
    %dma_wait3A_557 = arith.constant 0 : i32
    %dma_wait3A_558 = arith.constant 0 : i32
    %dma_wait3A_559 = tpu.memref_slice %arg3[%dma_wait3A_557, %dma_wait3A_558] : memref<1000000x32xf32, #tpu.memory_space<hbm>> -> memref<1000000x32xf32, #tpu.memory_space<hbm>>
    tpu.wait_indirect_dma semaphore(%arg9 : memref<!tpu.dma_semaphore, #tpu.memory_space<semaphore_mem>>) src(%dma_wait3A_559 : memref<1000000x32xf32, #tpu.memory_space<hbm>>) dst(%dma_wait3A_554 : memref<1024x32xf32, #tpu.memory_space<vmem>>)
    %add3A_560 = arith.constant 11264 : i32
    %add3A_561 = arith.addi %mul3A_2, %add3A_560 : i32
    %dma_start3A_562 = arith.constant 2 : i32
    %dma_start3A_563 = arith.constant 0 : i32
    %dma_start3A_564 = arith.constant 0 : i32
    %dma_start3A_565 = tpu.memref_slice %arg6[%dma_start3A_562, %dma_start3A_563, %dma_start3A_564] : memref<3x1024x32xf32, #tpu.memory_space<vmem>> -> memref<1x1024x32xf32, #tpu.memory_space<vmem>>
    %dma_start3A_566 = tpu.memref_squeeze %dma_start3A_565 : memref<1x1024x32xf32, #tpu.memory_space<vmem>> -> memref<1024x32xf32, #tpu.memory_space<vmem>>
    %dma_start3A_567 = arith.constant 0 : i32
    %dma_start3A_568 = tpu.memref_slice %arg4[%add3A_561, %dma_start3A_567] : memref<425984x32xf32, #tpu.memory_space<hbm>> -> memref<1024x32xf32, #tpu.memory_space<hbm>>
    %dma_start3A_569 = arith.constant 0 : i32
    %dma_start3A_570 = tpu.memref_slice %arg4[%add3A_561, %dma_start3A_569] : memref<425984x32xf32, #tpu.memory_space<hbm>> -> memref<1024x32xf32, #tpu.memory_space<hbm>>
    %dma_start3A_571 = arith.constant 0 : i32
    %dma_start3A_572 = arith.constant 0 : i32
    %dma_start3A_573 = tpu.memref_slice %arg6[%dma_start3A_562, %dma_start3A_571, %dma_start3A_572] : memref<3x1024x32xf32, #tpu.memory_space<vmem>> -> memref<1x1024x32xf32, #tpu.memory_space<vmem>>
    %dma_start3A_574 = tpu.memref_squeeze %dma_start3A_573 : memref<1x1024x32xf32, #tpu.memory_space<vmem>> -> memref<1024x32xf32, #tpu.memory_space<vmem>>
    tpu.enqueue_dma source(%dma_start3A_574 : memref<1024x32xf32, #tpu.memory_space<vmem>>) target(%dma_start3A_570 : memref<1024x32xf32, #tpu.memory_space<hbm>>) target_semaphore(%arg12 : memref<!tpu.dma_semaphore, #tpu.memory_space<semaphore_mem>>)
    %dma_wait3A_575 = arith.constant 0 : i32
    %dma_wait3A_576 = arith.constant 0 : i32
    %dma_wait3A_577 = arith.constant 0 : i32
    %dma_wait3A_578 = tpu.memref_slice %arg6[%dma_wait3A_575, %dma_wait3A_576, %dma_wait3A_577] : memref<3x1024x32xf32, #tpu.memory_space<vmem>> -> memref<1x1024x32xf32, #tpu.memory_space<vmem>>
    %dma_wait3A_579 = tpu.memref_squeeze %dma_wait3A_578 : memref<1x1024x32xf32, #tpu.memory_space<vmem>> -> memref<1024x32xf32, #tpu.memory_space<vmem>>
    %dma_wait3A_580 = arith.constant 12288 : i32
    %dma_wait3A_581 = tpu.memref_slice %arg5[%dma_wait3A_580] : memref<13312xi32, #tpu.memory_space<vmem>> -> memref<1024xi32, #tpu.memory_space<vmem>>
    %dma_wait3A_582 = arith.constant 0 : i32
    %dma_wait3A_583 = arith.constant 0 : i32
    %dma_wait3A_584 = tpu.memref_slice %arg3[%dma_wait3A_582, %dma_wait3A_583] : memref<1000000x32xf32, #tpu.memory_space<hbm>> -> memref<1000000x32xf32, #tpu.memory_space<hbm>>
    tpu.wait_indirect_dma semaphore(%arg7 : memref<!tpu.dma_semaphore, #tpu.memory_space<semaphore_mem>>) src(%dma_wait3A_584 : memref<1000000x32xf32, #tpu.memory_space<hbm>>) dst(%dma_wait3A_579 : memref<1024x32xf32, #tpu.memory_space<vmem>>)
    %add3A_585 = arith.constant 12288 : i32
    %add3A_586 = arith.addi %mul3A_2, %add3A_585 : i32
    %dma_start3A_587 = arith.constant 0 : i32
    %dma_start3A_588 = arith.constant 0 : i32
    %dma_start3A_589 = arith.constant 0 : i32
    %dma_start3A_590 = tpu.memref_slice %arg6[%dma_start3A_587, %dma_start3A_588, %dma_start3A_589] : memref<3x1024x32xf32, #tpu.memory_space<vmem>> -> memref<1x1024x32xf32, #tpu.memory_space<vmem>>
    %dma_start3A_591 = tpu.memref_squeeze %dma_start3A_590 : memref<1x1024x32xf32, #tpu.memory_space<vmem>> -> memref<1024x32xf32, #tpu.memory_space<vmem>>
    %dma_start3A_592 = arith.constant 0 : i32
    %dma_start3A_593 = tpu.memref_slice %arg4[%add3A_586, %dma_start3A_592] : memref<425984x32xf32, #tpu.memory_space<hbm>> -> memref<1024x32xf32, #tpu.memory_space<hbm>>
    %dma_start3A_594 = arith.constant 0 : i32
    %dma_start3A_595 = tpu.memref_slice %arg4[%add3A_586, %dma_start3A_594] : memref<425984x32xf32, #tpu.memory_space<hbm>> -> memref<1024x32xf32, #tpu.memory_space<hbm>>
    %dma_start3A_596 = arith.constant 0 : i32
    %dma_start3A_597 = arith.constant 0 : i32
    %dma_start3A_598 = tpu.memref_slice %arg6[%dma_start3A_587, %dma_start3A_596, %dma_start3A_597] : memref<3x1024x32xf32, #tpu.memory_space<vmem>> -> memref<1x1024x32xf32, #tpu.memory_space<vmem>>
    %dma_start3A_599 = tpu.memref_squeeze %dma_start3A_598 : memref<1x1024x32xf32, #tpu.memory_space<vmem>> -> memref<1024x32xf32, #tpu.memory_space<vmem>>
    tpu.enqueue_dma source(%dma_start3A_599 : memref<1024x32xf32, #tpu.memory_space<vmem>>) target(%dma_start3A_595 : memref<1024x32xf32, #tpu.memory_space<hbm>>) target_semaphore(%arg10 : memref<!tpu.dma_semaphore, #tpu.memory_space<semaphore_mem>>)
    %dma_wait3A_600 = arith.constant 1 : i32
    %dma_wait3A_601 = arith.constant 0 : i32
    %dma_wait3A_602 = arith.constant 0 : i32
    %dma_wait3A_603 = tpu.memref_slice %arg6[%dma_wait3A_600, %dma_wait3A_601, %dma_wait3A_602] : memref<3x1024x32xf32, #tpu.memory_space<vmem>> -> memref<1x1024x32xf32, #tpu.memory_space<vmem>>
    %dma_wait3A_604 = tpu.memref_squeeze %dma_wait3A_603 : memref<1x1024x32xf32, #tpu.memory_space<vmem>> -> memref<1024x32xf32, #tpu.memory_space<vmem>>
    %dma_wait3A_605 = arith.constant 0 : i32
    %dma_wait3A_606 = tpu.memref_slice %arg4[%add3A_536, %dma_wait3A_605] : memref<425984x32xf32, #tpu.memory_space<hbm>> -> memref<1024x32xf32, #tpu.memory_space<hbm>>
    %dma_wait3A_607 = arith.constant 0 : i32
    %dma_wait3A_608 = tpu.memref_slice %arg4[%add3A_536, %dma_wait3A_607] : memref<425984x32xf32, #tpu.memory_space<hbm>> -> memref<1024x32xf32, #tpu.memory_space<hbm>>
    %dma_wait3A_609 = arith.constant 0 : i32
    %dma_wait3A_610 = arith.constant 0 : i32
    %dma_wait3A_611 = tpu.memref_slice %arg6[%dma_wait3A_600, %dma_wait3A_609, %dma_wait3A_610] : memref<3x1024x32xf32, #tpu.memory_space<vmem>> -> memref<1x1024x32xf32, #tpu.memory_space<vmem>>
    %dma_wait3A_612 = tpu.memref_squeeze %dma_wait3A_611 : memref<1x1024x32xf32, #tpu.memory_space<vmem>> -> memref<1024x32xf32, #tpu.memory_space<vmem>>
    tpu.wait_dma2 semaphore(%arg11 : memref<!tpu.dma_semaphore, #tpu.memory_space<semaphore_mem>>) src(%dma_wait3A_612 : memref<1024x32xf32, #tpu.memory_space<vmem>>) dst(%dma_wait3A_608 : memref<1024x32xf32, #tpu.memory_space<hbm>>)
    %dma_wait3A_613 = arith.constant 2 : i32
    %dma_wait3A_614 = arith.constant 0 : i32
    %dma_wait3A_615 = arith.constant 0 : i32
    %dma_wait3A_616 = tpu.memref_slice %arg6[%dma_wait3A_613, %dma_wait3A_614, %dma_wait3A_615] : memref<3x1024x32xf32, #tpu.memory_space<vmem>> -> memref<1x1024x32xf32, #tpu.memory_space<vmem>>
    %dma_wait3A_617 = tpu.memref_squeeze %dma_wait3A_616 : memref<1x1024x32xf32, #tpu.memory_space<vmem>> -> memref<1024x32xf32, #tpu.memory_space<vmem>>
    %dma_wait3A_618 = arith.constant 0 : i32
    %dma_wait3A_619 = tpu.memref_slice %arg4[%add3A_561, %dma_wait3A_618] : memref<425984x32xf32, #tpu.memory_space<hbm>> -> memref<1024x32xf32, #tpu.memory_space<hbm>>
    %dma_wait3A_620 = arith.constant 0 : i32
    %dma_wait3A_621 = tpu.memref_slice %arg4[%add3A_561, %dma_wait3A_620] : memref<425984x32xf32, #tpu.memory_space<hbm>> -> memref<1024x32xf32, #tpu.memory_space<hbm>>
    %dma_wait3A_622 = arith.constant 0 : i32
    %dma_wait3A_623 = arith.constant 0 : i32
    %dma_wait3A_624 = tpu.memref_slice %arg6[%dma_wait3A_613, %dma_wait3A_622, %dma_wait3A_623] : memref<3x1024x32xf32, #tpu.memory_space<vmem>> -> memref<1x1024x32xf32, #tpu.memory_space<vmem>>
    %dma_wait3A_625 = tpu.memref_squeeze %dma_wait3A_624 : memref<1x1024x32xf32, #tpu.memory_space<vmem>> -> memref<1024x32xf32, #tpu.memory_space<vmem>>
    tpu.wait_dma2 semaphore(%arg12 : memref<!tpu.dma_semaphore, #tpu.memory_space<semaphore_mem>>) src(%dma_wait3A_625 : memref<1024x32xf32, #tpu.memory_space<vmem>>) dst(%dma_wait3A_621 : memref<1024x32xf32, #tpu.memory_space<hbm>>)
    %dma_wait3A_626 = arith.constant 0 : i32
    %dma_wait3A_627 = arith.constant 0 : i32
    %dma_wait3A_628 = arith.constant 0 : i32
    %dma_wait3A_629 = tpu.memref_slice %arg6[%dma_wait3A_626, %dma_wait3A_627, %dma_wait3A_628] : memref<3x1024x32xf32, #tpu.memory_space<vmem>> -> memref<1x1024x32xf32, #tpu.memory_space<vmem>>
    %dma_wait3A_630 = tpu.memref_squeeze %dma_wait3A_629 : memref<1x1024x32xf32, #tpu.memory_space<vmem>> -> memref<1024x32xf32, #tpu.memory_space<vmem>>
    %dma_wait3A_631 = arith.constant 0 : i32
    %dma_wait3A_632 = tpu.memref_slice %arg4[%add3A_586, %dma_wait3A_631] : memref<425984x32xf32, #tpu.memory_space<hbm>> -> memref<1024x32xf32, #tpu.memory_space<hbm>>
    %dma_wait3A_633 = arith.constant 0 : i32
    %dma_wait3A_634 = tpu.memref_slice %arg4[%add3A_586, %dma_wait3A_633] : memref<425984x32xf32, #tpu.memory_space<hbm>> -> memref<1024x32xf32, #tpu.memory_space<hbm>>
    %dma_wait3A_635 = arith.constant 0 : i32
    %dma_wait3A_636 = arith.constant 0 : i32
    %dma_wait3A_637 = tpu.memref_slice %arg6[%dma_wait3A_626, %dma_wait3A_635, %dma_wait3A_636] : memref<3x1024x32xf32, #tpu.memory_space<vmem>> -> memref<1x1024x32xf32, #tpu.memory_space<vmem>>
    %dma_wait3A_638 = tpu.memref_squeeze %dma_wait3A_637 : memref<1x1024x32xf32, #tpu.memory_space<vmem>> -> memref<1024x32xf32, #tpu.memory_space<vmem>>
    tpu.wait_dma2 semaphore(%arg10 : memref<!tpu.dma_semaphore, #tpu.memory_space<semaphore_mem>>) src(%dma_wait3A_638 : memref<1024x32xf32, #tpu.memory_space<vmem>>) dst(%dma_wait3A_634 : memref<1024x32xf32, #tpu.memory_space<hbm>>)
    return
  }
}

</mosaic_0001>

<sc_bundles>
// kernel: kernel.3.cloned.1.call-start
scs
__scs_entry_jumppad:
0x0: {  	(pc) =	sbr.rel $0x88, $3  }
0x1: {  	(tag) =	ssettag $0x0;
	lr =	simm.s32 $0x1  }
0x2: {  	[smem:$0x3F9F] =	sst lr;
	_ =	strace $0xD0000000  }
0x3: {  	_ = 	snop  }
0x4: {  	_ = 	snop  }
0x5: {  	_ = 	snop  }
0x6: {  	_ = 	snop  }
0x7: {  	_ = 	snop  }
__scs_overlays_trampoline_lowered:
0x8: {  	[smem:$0x3FAE] =	sst s0  }
0x9: {  	[smem:$0x3FAF] =	sst s1  }
0xa: {  	[smem:$0x3FB0] =	sst s2  }
0xb: {  	[smem:$0x3FB1] =	sst s3  }
0xc: {  	[smem:$0x3FB2] =	sst s4  }
0xd: {  	[smem:$0x3FB3] =	sst s5  }
0xe: {  	[smem:$0x3FB4] =	sst s6  }
0xf: {  	[smem:$0x3FB5] =	sst s7  }
0x10: {  	[smem:$0x3FB6] =	sst s8  }
0x11: {  	[smem:$0x3FB7] =	sst s9;
	s0 =	simm.s32 @!p0 $0x0  }
0x12: {  	s1 =	sld [smem:$0x3F9D];
	s0 =	simm.s32 @p0 $0x1  }
0x13: {  	[smem:$0x3FB8] =	sst s0;
	s0 =	simm.s32 @!p1 $0x0  }
0x14: {  	s2 =	sld [smem:$0x3F9C];
	s0 =	simm.s32 @p1 $0x1  }
0x15: {  	[smem:$0x3FB9] =	sst s0;
	s0 =	simm.s32 @!p2 $0x0  }
0x16: {  	s3 =	sld [smem:$0x3FDB];
	s0 =	simm.s32 @p2 $0x1  }
0x17: {  	s4 =	simm.s32 $0x1BF5;
	[smem:$0x3FBB] =	sst s0  }
0x18: {  	s0 =	sld [smem:$0x3F9E];
	_ =	swait.ge [sflag:s4], $0x0  }
0x19: {  	s7 =	sld [smem:$0x3F9F]  }
0x1a: {  	s8 =	sadd.s32 $0xFFFFE003, lr  }
0x1b: {  	s9 =	sadd.s32 $0xFFFFFEF7, lr;
	s5 =	simm.s32 $0xFFFFFFFF;
	p2 =	slt.u32 s8, $0xFFFFF086  }
0x1c: {  	p1 =	slt.u32 s9, $0xF7A;
	s5 =	simm.s32 @!p2 $0x0  }
0x1d: {  	s5 =	simm.s32 @p1 $0x1;
	p0 =	seq.s32 s7, s2  }
0x1e: {  	s7 =	smul.u32 @!p0 $0xF7A, s2;
	p2 =	seq.s32 @!p0 s5, $0x0  }
0x1f: {  	s9 =	smul.u32 $0xF7A, s1;
	s8 =	simm.s32 @!p0 $0x1BF5;
	p2 =	por !p2, p0  }
0x20: {  	[sflag:s8] =	ssyncset.s32 @!p0 $0xFFFFF086;
	s6 =	sadd.s32 @!p0 s3, s7;
	s7 =	simm.s32 @!p0 $0x108  }
0x21: {  	s3 =	sadd.s32 s3, s9;
	s6 =	sadd.s32 @!p0 $0x88, s6;
	s7 =	simm.s32 @p2 $0x1082  }
0x22: {  	[simem:s7], [sflag:s8] =	dma.local @!p0 [hbm:s6], $0xF7A  }
0x23: {  	s9 =	sor.u32 $0xD0000000, s2;
	s6 =	simm.s32 $0x108;
	_ =	swait.ge @!p0 [sflag:s8], $0x0  }
0x24: {  	s3 =	sadd.s32 $0x88, s3;
	s6 =	simm.s32 @!p1 $0x1082;
	[sflag:s4] =	ssyncset.s32 $0xFFFFF086  }
0x25: {  	[simem:s6], [sflag:s4] =	dma.local [hbm:s3], $0xF7A  }
0x26: {  	[smem:$0x3F9F] =	sst s1;
	(tag) =	ssettag s2;
	_ =	strace s9  }
0x27: {  	s1 =	sld [smem:$0x3FAF]  }
0x28: {  	s2 =	sld [smem:$0x3FB0]  }
0x29: {  	s4 =	sld [smem:$0x3FB2]  }
0x2a: {  	p0 =	seq.s32 s5, $0x0;
	s5 =	sld [smem:$0x3FB3]  }
0x2b: {  	s6 =	sld [smem:$0x3FB4]  }
0x2c: {  	s7 =	sld [smem:$0x3FB5]  }
0x2d: {  	s3 =	simm.s32 $0x108;
	s8 =	sld [smem:$0x3FB6]  }
0x2e: {  	s3 =	simm.s32 @!p0 $0x1082;
	s9 =	sld [smem:$0x3FB7]  }
0x2f: {  	lr =	sadd.s32 s0, s3;
	s0 =	sld [smem:$0x3FAE]  }
0x30: {  	s3 =	sld [smem:$0x3FB1]  }
0x31: {  	[smem:$0x3FBA] =	sst s10  }
0x32: {  	s10 =	sld [smem:$0x3FB8];
	_ =	sdelay $0x3  }
0x33: {  	p0 =	seq.s32 s10, $0x1;
	s10 =	sld [smem:$0x3FBA];
	_ =	sdelay $0x3  }
0x34: {  	[smem:$0x3FBA] =	sst s10  }
0x35: {  	s10 =	sld [smem:$0x3FB9];
	_ =	sdelay $0x3  }
0x36: {  	p1 =	seq.s32 s10, $0x1;
	s10 =	sld [smem:$0x3FBA];
	_ =	sdelay $0x3  }
0x37: {  	[smem:$0x3FBA] =	sst s10  }
0x38: {  	s10 =	sld [smem:$0x3FBB]  }
0x39: {  	_ = 	snop;
	(pc) =	sbr.ind lr, $3  }
0x3a: {  	_ = 	snop  }
0x3b: {  	_ = 	snop  }
0x3c: {  	p2 =	seq.s32 s10, $0x1;
	s10 =	sld [smem:$0x3FBA]  }
0x3d: {  	_ =	shalt  }
0x3e: {  	_ =	shalt  }
0x3f: {  	_ =	shalt  }
0x40: {  	_ =	shalt  }
0x41: {  	_ =	shalt  }
0x42: {  	_ =	shalt  }
0x43: {  	_ =	shalt  }
0x44: {  	_ =	shalt  }
0x45: {  	_ =	shalt  }
0x46: {  	_ =	shalt  }
0x47: {  	_ =	shalt  }
0x48: {  	_ =	shalt  }
0x49: {  	_ =	shalt  }
0x4a: {  	_ =	shalt  }
0x4b: {  	_ =	shalt  }
0x4c: {  	_ =	shalt  }
0x4d: {  	_ =	shalt  }
0x4e: {  	_ =	shalt  }
0x4f: {  	_ =	shalt  }
0x50: {  	_ =	shalt  }
0x51: {  	_ =	shalt  }
0x52: {  	_ =	shalt  }
0x53: {  	_ =	shalt  }
0x54: {  	_ =	shalt  }
0x55: {  	_ =	shalt  }
0x56: {  	_ =	shalt  }
0x57: {  	_ =	shalt  }
0x58: {  	_ =	shalt  }
0x59: {  	_ =	shalt  }
0x5a: {  	_ =	shalt  }
0x5b: {  	_ =	shalt  }
0x5c: {  	_ =	shalt  }
0x5d: {  	_ =	shalt  }
0x5e: {  	_ =	shalt  }
0x5f: {  	_ =	shalt  }
0x60: {  	_ =	shalt  }
0x61: {  	_ =	shalt  }
0x62: {  	_ =	shalt  }
0x63: {  	_ =	shalt  }
0x64: {  	_ =	shalt  }
0x65: {  	_ =	shalt  }
0x66: {  	_ =	shalt  }
0x67: {  	_ =	shalt  }
0x68: {  	_ =	shalt  }
0x69: {  	_ =	shalt  }
0x6a: {  	_ =	shalt  }
0x6b: {  	_ =	shalt  }
0x6c: {  	_ =	shalt  }
0x6d: {  	_ =	shalt  }
0x6e: {  	_ =	shalt  }
0x6f: {  	_ =	shalt  }
0x70: {  	_ =	shalt  }
0x71: {  	_ =	shalt  }
0x72: {  	_ =	shalt  }
0x73: {  	_ =	shalt  }
0x74: {  	_ =	shalt  }
0x75: {  	_ =	shalt  }
0x76: {  	_ =	shalt  }
0x77: {  	_ =	shalt  }
0x78: {  	_ =	shalt  }
0x79: {  	_ =	shalt  }
0x7a: {  	_ =	shalt  }
0x7b: {  	_ =	shalt  }
0x7c: {  	_ =	shalt  }
0x7d: {  	_ =	shalt  }
0x7e: {  	_ =	shalt  }
0x7f: {  	_ =	shalt  }
0x80: {  	_ =	shalt  }
0x81: {  	_ =	shalt  }
0x82: {  	_ =	shalt  }
0x83: {  	_ =	shalt  }
0x84: {  	_ =	shalt  }
0x85: {  	_ =	shalt  }
0x86: {  	_ =	shalt  }
0x87: {  	_ =	shalt  }
.Lfunc_end0:
.L_simem_size_0:
called_computation.1_lowered:
.L_overlay_start_0:
0x88: {  	s2 =	sld [smem:$0x3FD9]  }
0x89: {  	s3 =	sld [smem:$0x3FFE];
	_ =	sdelay $0x1  }
0x8a: {  	s1 =	srdreg.scid  }
0x8b: {  	s0 =	sand.u32 $0x1, s1  }
0x8c: {  	s17 =	sshll.u32 s0, $0xA;
	s2 =	sadd.s32 s3, s2  }
0x8d: {  	s2 =	sadd.s32 s2, s17  }
0x8e: {  	[smem:$0x3FC6] =	sst s2  }
0x8f: {  	_ = 	snop  }
0x90: {  	s2 =	sld [smem:$0x3FD0];
	(tm) =	ssettm $0x1  }
0x91: {  	s18 =	sld [smem:$0x3FFB];
	_ =	sdelay $0x3  }
0x92: {  	_ =	strace s18  }
0x93: {  	s3 =	sld [smem:$0x3FFC];
	_ =	sdelay $0x3  }
0x94: {  	_ =	strace s3  }
0x95: {  	s3 =	sld [smem:$0x3FFD];
	_ =	sdelay $0x3  }
0x96: {  	_ =	strace s3  }
0x97: {  	_ =	strace $0x8FFFFFFF  }
0x98: {  	s19 =	sld [smem:$0x3FDB];
	_ =	sdelay $0x1  }
0x99: {  	s4 =	simm.s32 $_scs_section_size  }
0x9a: {  	s5 =	simm.s32 $_size__tile_overlayer_lowered;
	s6 =	simm.s32 $_tile_overlayer_lowered  }
0x9b: {  	s22 =	simm.s32 $0x1BFF;
	s21 =	sshll.u32 s6, $0x1;
	s3 =	sadd.s32 s4, s19  }
0x9c: {  	s7 =	simm.s32 $0x0;
	s20 =	sshll.u32 s5, $0x1;
	s5 =	sadd.s32 s21, s3  }
0x9d: {  	[timem:s7], [sflag:s22] =	dma.local [hbm:s5], s20  }
0x9e: {  	_ =	swait.ge [sflag:s22], s20  }
0x9f: {  	s4 =	ssub.s32 $0x0, s20;
	[sflag:s22] =	ssyncset.done $0x0  }
0xa0: {  	[sflag:s22] =	ssyncadd.s32 s4;
	_ =	sdelay $0x1  }
0xa1: {  	s23 =	simm.s32 $0x1B8B  }
0xa2: {  	_ =	swait.ge [sflag:s23], $0x1  }
0xa3: {  	[sflag:s23] =	ssyncset.done $0x0  }
0xa4: {  	s25 =	simm.s32 $0x1B8E;
	s24 =	sld [smem:$0x3FFE];
	[sflag:s23] =	ssyncadd.s32 $0xFFFFFFFF  }
0xa5: {  	s26 =	simm.s32 $execute0_lowered;
	[smem:$0x3FD2] =	sst s25  }
0xa6: {  	s5 =	sshll.u32 s26, $0x1;
	_ =	strace $0x80000046;
	[dreg:$0x1] =	wrdreg $0xFFFFFFFF  }
0xa7: {  	s28 =	simm.s32 $_size_execute0_lowered;
	s3 =	sadd.s32 s3, s5;
	[dreg:$0x0] =	wrdreg $0x0  }
0xa8: {  	s5 =	sshll.u32 s28, $0x1;
	[dreg:$0x2] =	wrdreg s3  }
0xa9: {  	[dreg:$0x3] =	wrdreg s5  }
0xaa: {  	[dreg:$0x4] =	wrdreg $0xC0  }
0xab: {  	_ =	task [dreg:s7], $0x5FFFF  }
0xac: {  	[dreg:$0x1] =	wrdreg $0xFFFFFFFF  }
0xad: {  	[dreg:$0x0] =	wrdreg $0x60  }
0xae: {  	[dreg:$0x2] =	wrdreg s24  }
0xaf: {  	[dreg:$0x3] =	wrdreg s2  }
0xb0: {  	[dreg:$0x4] =	wrdreg $0x9  }
0xb1: {  	_ =	task.clear_ibuf [dreg:s7], $0x5FFFF;
	_ =	strace $0x90000046  }
0xb2: {  	s29 =	simm.s32 $0x9;
	_ =	strace $0x80000048  }
0xb3: {  	_ =	swait.ge [sflag:s29], $0x1  }
0xb4: {  	[sflag:s29] =	ssyncadd.s32 $0xFFFFFFFF  }
0xb5: {  	_ =	strace $0x90000048  }
0xb6: {  	_ =	sfence  }
0xb7: {  	s30 =	sld [smem:$0x0];
	_ =	sdelay $0x2  }
0xb8: {  	s31 =	sshll.u32 s1, $0xD;
	s1 =	sshrl.u32 s1, $0x2  }
0xb9: {  	s3 =	sand.u32 $0x4000, s31;
	s1 =	sadd.s32 s1, s30  }
0xba: {  	s0 =	sor.u32 s3, s0;
	s1 =	sshll.u32 s1, $0x11  }
0xbb: {  	s0 =	sor.u32 s1, s0  }
0xbc: {  	s0 =	sadd.s32 $0x8F2B, s0  }
0xbd: {  	[sflag:s0] =	ssyncadd.remote.s32 $0x1  }
0xbe: {  	_ =	sfence.sel $0xFFFF  }
0xbf: {  	[dreg:$0x0] =	wrdreg $0xFFFFFFFF;
	(pc) =	sbr.abs _section_cstart, $3  }
0xc0: {  	[dreg:$0x1] =	wrdreg $0xFFFFFFFF  }
0xc1: {  	_ =	task.clear_ibuf [dreg:s7], $0x2FFFF;
	_ =	strace $0x9FFFFFFF  }
0xc2: {  	(tm) =	ssettm $0x7FFFFFFF  }
0xc3: {  	_ =	shalt  }
tec
execute0_lowered:
.L_overlay_start_1:
0x0: {  	(tag) =	ssettag $0x1  }
0x1: {  	s0 =	rddreg [dreg:$0x0];
	s1 =	srdreg.scid  }
0x2: {  	s2 =	stileid.u32;
	s3 =	rddreg [dreg:$0x1]  }
0x3: {  	s31 =	simm.s32 $0x8;
	s29 =	simm.s32 $0x7;
	s14 =	simm.s32 $0xB400  }
0x4: {  	s30 =	simm.s32 $0x800;
	s12 =	simm.s32 $0x13400;
	s28 =	simm.s32 $0xC00  }
0x5: {  	s10 =	simm.s32 $0x5;
	s26 =	simm.s32 $0x1000;
	s11 =	simm.s32 $0x6  }
0x6: {  	s25 =	simm.s32 $0x1400;
	s1 =	sand.u32 $0x1, s1;
	s4 =	sshll.u32 s2, $0x1  }
0x7: {  	s24 =	simm.s32 $0x1800;
	p0 =	por $0x0, $0x0;
	s4 =	sor.u32 s1, s4  }
0x8: {  	s2 =	simm.s32 $0x0;
	s6 =	sadd.s32 $0xA00, s0;
	s5 =	smul.u32 $0x3400, s4  }
0x9: {  	[smem:$0x7FF] =	sst s2;
	s1 =	ssub.s32 $0x2, s1;
	s9 =	smul.u32 $0xD000, s4  }
0xa: {  	_ =	strace $0x80000047;
	s4 =	smul.u32 $0x68000, s4;
	s20 =	sshrl.u32 s1, $0x1  }
0xb: {  	s1 =	ssub.s32 s1, s20;
	s20 =	simm.s32 $0x2800;
	s7 =	sshrl.u32 s5, $0x3  }
0xc: {  	s5 =	sadd.s32 $0x400, s5;
	s15 =	sadd.s32 s3, s9;
	s4 =	sshrl.u32 s4, $0x3  }
0xd: {  	s23 =	smax.u32 s1, $0x1;
	s9 =	simm.s32 $0x1;
	s7 =	sadd.s32 s6, s7  }
0xe: {  	s8 =	sshrl.u32 s5, $0x3;
	s5 =	sshll.u32 s5, $0x2;
	[dreg:$0x5] =	wrdreg s15  }
0xf: {  	s4 =	sadd.s32 s3, s4;
	[dreg:$0x3] =	wrdreg s7;
	s6 =	sadd.s32 s6, s8  }
0x10: {  	s15 =	simm.s32 $0x400;
	s5 =	sadd.s32 s3, s5;
	[dreg:$0x4] =	wrdreg s6  }
0x11: {  	p1 =	sne.s32 s23, $0x1;
	s3 =	sadd.s32 $0x2000, s4;
	[dreg:$0x6] =	wrdreg s5  }
0x12: {  	s1 =	sadd.s32 $0xFFFFFFFF, s23;
	s16 =	sadd.s32 $0x3000, s4;
	[dreg:$0x7] =	wrdreg s3  }
0x13: {  	s23 =	simm.s32 $0x1C00;
	s17 =	sadd.s32 $0x4000, s4;
	[dreg:$0x8] =	wrdreg s16  }
0x14: {  	s18 =	sadd.s32 $0x5000, s4;
	s19 =	sadd.s32 $0x6000, s4;
	[dreg:$0x9] =	wrdreg s17  }
0x15: {  	s21 =	sadd.s32 $0x7000, s4;
	s22 =	sadd.s32 $0x8000, s4;
	[dreg:$0xa] =	wrdreg s18  }
0x16: {  	s13 =	sadd.s32 $0x9000, s4;
	s8 =	sadd.s32 $0xA000, s4;
	[dreg:$0xb] =	wrdreg s19  }
.Ltmp0:
0x17: {  	s7 =	simm.s32 $0x3400;
	[dreg:$0xc] =	wrdreg s21;
	(pc) =	sbr.rel @!p1 .LBB2_3-.Ltmp0, $4  }
0x18: {  	s3 =	sadd.s32 $0xF42E00, s0;
	[dreg:$0xd] =	wrdreg s22;
	s6 =	sadd.s32 $0xB000, s4  }
0x19: {  	s4 =	sadd.s32 $0xC000, s4;
	s5 =	simm.s32 $0x4;
	s17 =	simm.s32 $0x2  }
0x1a: {  	s16 =	simm.s32 $0x3;
	s22 =	simm.s32 $0x2000;
	s21 =	simm.s32 $0x2400  }
0x1b: {  	s19 =	simm.s32 $0x2C00;
	s18 =	simm.s32 $0x3000;
	s0 =	rddreg [dreg:$0x3]  }
0x1c: {  	[tilespmem:s2], [sflag:$0x8] =	stream.linear.gather [hbm4b:s0+s2], $0x400, $0x38;
	[tilespmem:$0x1B400] =	vst v63  }
0x1d: {  	_ =	swait.ge [sflag:s31], $0x400  }
0x1e: {  	[sflag:s31] =	ssyncset.done $0x0  }
0x1f: {  	s0 =	rddreg [dreg:$0x4];
	[sflag:s31] =	ssyncadd.s32 $0xFFFFFC00  }
0x20: {  	[tilespmem:s15], [sflag:$0x7] =	stream.linear.gather [hbm4b:s0+s2], $0x3000, $0x38;
	[tilespmem:$0x1B400] =	vst v63  }
0x21: {  	_ = 	snop  }
0x22: {  	[tilespmem:s7], [sflag:$0x1] =	stream.indirect.gather [hbm4b:s3+s15], $0x20, s2, s15, $0xb8;
	[tilespmem:$0x1B400] =	vst v63  }
0x23: {  	_ =	swait.ge [sflag:s29], $0x3000  }
0x24: {  	[sflag:s29] =	ssyncset.done $0x0  }
0x25: {  	[sflag:s29] =	ssyncadd.s32 $0xFFFFD000  }
0x26: {  	[tilespmem:s14], [sflag:$0x2] =	stream.indirect.gather [hbm4b:s3+s15], $0x20, s15, s15, $0xb8;
	[tilespmem:$0x1B400] =	vst v63  }
0x27: {  	_ = 	snop  }
0x28: {  	[tilespmem:s12], [sflag:$0x3] =	stream.indirect.gather [hbm4b:s3+s15], $0x20, s30, s15, $0xb8;
	[tilespmem:$0x1B400] =	vst v63  }
0x29: {  	_ =	swait.ge [sflag:s9], $0x8000  }
0x2a: {  	[sflag:s9] =	ssyncset.done $0x0  }
0x2b: {  	s0 =	rddreg [dreg:$0x5];
	[sflag:s9] =	ssyncadd.s32 $0xFFFF8000  }
0x2c: {  	[hbm4b:s0+s2] =	stream.linear.scatter [tilespmem:s7], [sflag:$0x4], $0x8000, $0x38;
	[tilespmem:$0x1B400] =	vst v63  }
0x2d: {  	_ =	swait.ge [sflag:s5], $0x8000  }
0x2e: {  	[sflag:s5] =	ssyncset.done $0x0  }
0x2f: {  	[sflag:s5] =	ssyncadd.s32 $0xFFFF8000  }
0x30: {  	[tilespmem:s7], [sflag:$0x1] =	stream.indirect.gather [hbm4b:s3+s15], $0x20, s28, s15, $0xb8;
	[tilespmem:$0x1B400] =	vst v63  }
0x31: {  	_ =	swait.ge [sflag:s17], $0x8000  }
0x32: {  	[sflag:s17] =	ssyncset.done $0x0  }
0x33: {  	s0 =	rddreg [dreg:$0x6];
	[sflag:s17] =	ssyncadd.s32 $0xFFFF8000  }
0x34: {  	[hbm4b:s0+s2] =	stream.linear.scatter [tilespmem:s14], [sflag:$0x5], $0x8000, $0x38;
	[tilespmem:$0x1B400] =	vst v63  }
0x35: {  	_ =	swait.ge [sflag:s10], $0x8000  }
0x36: {  	[sflag:s10] =	ssyncset.done $0x0  }
0x37: {  	[sflag:s10] =	ssyncadd.s32 $0xFFFF8000  }
0x38: {  	[tilespmem:s14], [sflag:$0x2] =	stream.indirect.gather [hbm4b:s3+s15], $0x20, s26, s15, $0xb8;
	[tilespmem:$0x1B400] =	vst v63  }
0x39: {  	_ =	swait.ge [sflag:s16], $0x8000  }
0x3a: {  	[sflag:s16] =	ssyncset.done $0x0  }
0x3b: {  	s0 =	rddreg [dreg:$0x7];
	[sflag:s16] =	ssyncadd.s32 $0xFFFF8000  }
0x3c: {  	[hbm4b:s0+s2] =	stream.linear.scatter [tilespmem:s12], [sflag:$0x6], $0x8000, $0x38;
	[tilespmem:$0x1B400] =	vst v63  }
0x3d: {  	_ =	swait.ge [sflag:s11], $0x8000  }
0x3e: {  	[sflag:s11] =	ssyncset.done $0x0  }
0x3f: {  	[sflag:s11] =	ssyncadd.s32 $0xFFFF8000  }
0x40: {  	[tilespmem:s12], [sflag:$0x3] =	stream.indirect.gather [hbm4b:s3+s15], $0x20, s25, s15, $0xb8;
	[tilespmem:$0x1B400] =	vst v63  }
0x41: {  	_ =	swait.ge [sflag:s9], $0x8000  }
0x42: {  	[sflag:s9] =	ssyncset.done $0x0  }
0x43: {  	s0 =	rddreg [dreg:$0x8];
	[sflag:s9] =	ssyncadd.s32 $0xFFFF8000  }
0x44: {  	[hbm4b:s0+s2] =	stream.linear.scatter [tilespmem:s7], [sflag:$0x4], $0x8000, $0x38;
	[tilespmem:$0x1B400] =	vst v63  }
0x45: {  	_ =	swait.ge [sflag:s5], $0x8000  }
0x46: {  	[sflag:s5] =	ssyncset.done $0x0  }
0x47: {  	[sflag:s5] =	ssyncadd.s32 $0xFFFF8000  }
0x48: {  	[tilespmem:s7], [sflag:$0x1] =	stream.indirect.gather [hbm4b:s3+s15], $0x20, s24, s15, $0xb8;
	[tilespmem:$0x1B400] =	vst v63  }
0x49: {  	_ =	swait.ge [sflag:s17], $0x8000  }
0x4a: {  	[sflag:s17] =	ssyncset.done $0x0  }
0x4b: {  	s0 =	rddreg [dreg:$0x9];
	[sflag:s17] =	ssyncadd.s32 $0xFFFF8000  }
0x4c: {  	[hbm4b:s0+s2] =	stream.linear.scatter [tilespmem:s14], [sflag:$0x5], $0x8000, $0x38;
	[tilespmem:$0x1B400] =	vst v63  }
0x4d: {  	_ =	swait.ge [sflag:s10], $0x8000  }
0x4e: {  	[sflag:s10] =	ssyncset.done $0x0  }
0x4f: {  	[sflag:s10] =	ssyncadd.s32 $0xFFFF8000  }
0x50: {  	[tilespmem:s14], [sflag:$0x2] =	stream.indirect.gather [hbm4b:s3+s15], $0x20, s23, s15, $0xb8;
	[tilespmem:$0x1B400] =	vst v63  }
0x51: {  	_ =	swait.ge [sflag:s16], $0x8000  }
0x52: {  	[sflag:s16] =	ssyncset.done $0x0  }
0x53: {  	s0 =	rddreg [dreg:$0xa];
	[sflag:s16] =	ssyncadd.s32 $0xFFFF8000  }
0x54: {  	[hbm4b:s0+s2] =	stream.linear.scatter [tilespmem:s12], [sflag:$0x6], $0x8000, $0x38;
	[tilespmem:$0x1B400] =	vst v63  }
0x55: {  	_ =	swait.ge [sflag:s11], $0x8000  }
0x56: {  	[sflag:s11] =	ssyncset.done $0x0  }
0x57: {  	[sflag:s11] =	ssyncadd.s32 $0xFFFF8000  }
0x58: {  	[tilespmem:s12], [sflag:$0x3] =	stream.indirect.gather [hbm4b:s3+s15], $0x20, s22, s15, $0xb8;
	[tilespmem:$0x1B400] =	vst v63  }
0x59: {  	_ =	swait.ge [sflag:s9], $0x8000  }
0x5a: {  	[sflag:s9] =	ssyncset.done $0x0  }
0x5b: {  	s0 =	rddreg [dreg:$0xb];
	[sflag:s9] =	ssyncadd.s32 $0xFFFF8000  }
0x5c: {  	[hbm4b:s0+s2] =	stream.linear.scatter [tilespmem:s7], [sflag:$0x4], $0x8000, $0x38;
	[tilespmem:$0x1B400] =	vst v63  }
0x5d: {  	_ =	swait.ge [sflag:s5], $0x8000  }
0x5e: {  	[sflag:s5] =	ssyncset.done $0x0  }
0x5f: {  	[sflag:s5] =	ssyncadd.s32 $0xFFFF8000  }
0x60: {  	[tilespmem:s7], [sflag:$0x1] =	stream.indirect.gather [hbm4b:s3+s15], $0x20, s21, s15, $0xb8;
	[tilespmem:$0x1B400] =	vst v63  }
0x61: {  	_ =	swait.ge [sflag:s17], $0x8000  }
0x62: {  	[sflag:s17] =	ssyncset.done $0x0  }
0x63: {  	s0 =	rddreg [dreg:$0xc];
	[sflag:s17] =	ssyncadd.s32 $0xFFFF8000  }
0x64: {  	[hbm4b:s0+s2] =	stream.linear.scatter [tilespmem:s14], [sflag:$0x5], $0x8000, $0x38;
	[tilespmem:$0x1B400] =	vst v63  }
0x65: {  	_ =	swait.ge [sflag:s10], $0x8000  }
0x66: {  	[sflag:s10] =	ssyncset.done $0x0  }
0x67: {  	[sflag:s10] =	ssyncadd.s32 $0xFFFF8000  }
0x68: {  	[tilespmem:s14], [sflag:$0x2] =	stream.indirect.gather [hbm4b:s3+s15], $0x20, s20, s15, $0xb8;
	[tilespmem:$0x1B400] =	vst v63  }
0x69: {  	_ =	swait.ge [sflag:s16], $0x8000  }
0x6a: {  	[sflag:s16] =	ssyncset.done $0x0  }
0x6b: {  	s0 =	rddreg [dreg:$0xd];
	[sflag:s16] =	ssyncadd.s32 $0xFFFF8000  }
0x6c: {  	[hbm4b:s0+s2] =	stream.linear.scatter [tilespmem:s12], [sflag:$0x6], $0x8000, $0x38;
	[tilespmem:$0x1B400] =	vst v63  }
0x6d: {  	_ =	swait.ge [sflag:s11], $0x8000  }
0x6e: {  	[sflag:s11] =	ssyncset.done $0x0  }
0x6f: {  	[sflag:s11] =	ssyncadd.s32 $0xFFFF8000  }
0x70: {  	[tilespmem:s12], [sflag:$0x3] =	stream.indirect.gather [hbm4b:s3+s15], $0x20, s19, s15, $0xb8;
	[tilespmem:$0x1B400] =	vst v63  }
0x71: {  	_ =	swait.ge [sflag:s9], $0x8000  }
0x72: {  	[sflag:s9] =	ssyncset.done $0x0  }
0x73: {  	[sflag:s9] =	ssyncadd.s32 $0xFFFF8000  }
0x74: {  	[hbm4b:s13+s2] =	stream.linear.scatter [tilespmem:s7], [sflag:$0x4], $0x8000, $0x38;
	[tilespmem:$0x1B400] =	vst v63  }
0x75: {  	_ =	swait.ge [sflag:s5], $0x8000  }
0x76: {  	[sflag:s5] =	ssyncset.done $0x0  }
0x77: {  	[sflag:s5] =	ssyncadd.s32 $0xFFFF8000  }
0x78: {  	[tilespmem:s7], [sflag:$0x1] =	stream.indirect.gather [hbm4b:s3+s15], $0x20, s18, s15, $0xb8;
	[tilespmem:$0x1B400] =	vst v63  }
0x79: {  	_ =	swait.ge [sflag:s17], $0x8000  }
0x7a: {  	[sflag:s17] =	ssyncset.done $0x0  }
0x7b: {  	[sflag:s17] =	ssyncadd.s32 $0xFFFF8000  }
0x7c: {  	[hbm4b:s8+s2] =	stream.linear.scatter [tilespmem:s14], [sflag:$0x5], $0x8000, $0x38;
	[tilespmem:$0x1B400] =	vst v63  }
0x7d: {  	_ =	swait.ge [sflag:s16], $0x8000  }
0x7e: {  	[sflag:s16] =	ssyncset.done $0x0  }
0x7f: {  	[sflag:s16] =	ssyncadd.s32 $0xFFFF8000  }
0x80: {  	[hbm4b:s6+s2] =	stream.linear.scatter [tilespmem:s12], [sflag:$0x6], $0x8000, $0x38;
	[tilespmem:$0x1B400] =	vst v63  }
0x81: {  	_ =	swait.ge [sflag:s9], $0x8000  }
0x82: {  	[sflag:s9] =	ssyncset.done $0x0  }
0x83: {  	[sflag:s9] =	ssyncadd.s32 $0xFFFF8000  }
0x84: {  	[hbm4b:s4+s2] =	stream.linear.scatter [tilespmem:s7], [sflag:$0x4], $0x8000, $0x38;
	[tilespmem:$0x1B400] =	vst v63  }
0x85: {  	_ =	swait.ge [sflag:s10], $0x8000  }
0x86: {  	[sflag:s10] =	ssyncset.done $0x0  }
0x87: {  	p1 =	sne.s32 s1, $0x1;
	[sflag:s10] =	ssyncadd.s32 $0xFFFF8000  }
.Ltmp1:
0x88: {  	_ =	swait.ge [sflag:s11], $0x8000;
	(pc) =	sbr.rel @!p1 .LBB2_3-.Ltmp1, $4  }
0x89: {  	[sflag:s11] =	ssyncset.done $0x0  }
0x8a: {  	[sflag:s11] =	ssyncadd.s32 $0xFFFF8000  }
0x8b: {  	s1 =	sadd.s32 $0xFFFFFFFF, s1;
	_ =	swait.ge [sflag:s5], $0x8000  }
0x8c: {  	p0 =	por $0x1, $0x1;
	s0 =	rddreg [dreg:$0x3];
	[sflag:s5] =	ssyncset.done $0x0  }
.LBB2_2:
0x8d: {  	[sflag:s5] =	ssyncadd.s32 $0xFFFF8000  }
0x8e: {  	[tilespmem:s2], [sflag:$0x8] =	stream.linear.gather [hbm4b:s0+s2], $0x400, $0x38;
	[tilespmem:$0x1B400] =	vst v63  }
0x8f: {  	_ =	swait.ge [sflag:s31], $0x400  }
0x90: {  	[sflag:s31] =	ssyncset.done $0x0  }
0x91: {  	s0 =	rddreg [dreg:$0x4];
	[sflag:s31] =	ssyncadd.s32 $0xFFFFFC00  }
0x92: {  	[tilespmem:s15], [sflag:$0x7] =	stream.linear.gather [hbm4b:s0+s2], $0x3000, $0x38;
	[tilespmem:$0x1B400] =	vst v63  }
0x93: {  	_ = 	snop  }
0x94: {  	[tilespmem:s7], [sflag:$0x1] =	stream.indirect.gather [hbm4b:s3+s15], $0x20, s2, s15, $0xb8;
	[tilespmem:$0x1B400] =	vst v63  }
0x95: {  	_ =	swait.ge [sflag:s29], $0x3000  }
0x96: {  	[sflag:s29] =	ssyncset.done $0x0  }
0x97: {  	[sflag:s29] =	ssyncadd.s32 $0xFFFFD000  }
0x98: {  	[tilespmem:s14], [sflag:$0x2] =	stream.indirect.gather [hbm4b:s3+s15], $0x20, s15, s15, $0xb8;
	[tilespmem:$0x1B400] =	vst v63  }
0x99: {  	_ = 	snop  }
0x9a: {  	[tilespmem:s12], [sflag:$0x3] =	stream.indirect.gather [hbm4b:s3+s15], $0x20, s30, s15, $0xb8;
	[tilespmem:$0x1B400] =	vst v63  }
0x9b: {  	_ =	swait.ge [sflag:s9], $0x8000  }
0x9c: {  	[sflag:s9] =	ssyncset.done $0x0  }
0x9d: {  	s0 =	rddreg [dreg:$0x5];
	[sflag:s9] =	ssyncadd.s32 $0xFFFF8000  }
0x9e: {  	[hbm4b:s0+s2] =	stream.linear.scatter [tilespmem:s7], [sflag:$0x4], $0x8000, $0x38;
	[tilespmem:$0x1B400] =	vst v63  }
0x9f: {  	_ =	swait.ge [sflag:s5], $0x8000  }
0xa0: {  	[sflag:s5] =	ssyncset.done $0x0  }
0xa1: {  	[sflag:s5] =	ssyncadd.s32 $0xFFFF8000  }
0xa2: {  	[tilespmem:s7], [sflag:$0x1] =	stream.indirect.gather [hbm4b:s3+s15], $0x20, s28, s15, $0xb8;
	[tilespmem:$0x1B400] =	vst v63  }
0xa3: {  	_ =	swait.ge [sflag:s17], $0x8000  }
0xa4: {  	[sflag:s17] =	ssyncset.done $0x0  }
0xa5: {  	s0 =	rddreg [dreg:$0x6];
	[sflag:s17] =	ssyncadd.s32 $0xFFFF8000  }
0xa6: {  	[hbm4b:s0+s2] =	stream.linear.scatter [tilespmem:s14], [sflag:$0x5], $0x8000, $0x38;
	[tilespmem:$0x1B400] =	vst v63  }
0xa7: {  	_ =	swait.ge [sflag:s10], $0x8000  }
0xa8: {  	[sflag:s10] =	ssyncset.done $0x0  }
0xa9: {  	[sflag:s10] =	ssyncadd.s32 $0xFFFF8000  }
0xaa: {  	[tilespmem:s14], [sflag:$0x2] =	stream.indirect.gather [hbm4b:s3+s15], $0x20, s26, s15, $0xb8;
	[tilespmem:$0x1B400] =	vst v63  }
0xab: {  	_ =	swait.ge [sflag:s16], $0x8000  }
0xac: {  	[sflag:s16] =	ssyncset.done $0x0  }
0xad: {  	s0 =	rddreg [dreg:$0x7];
	[sflag:s16] =	ssyncadd.s32 $0xFFFF8000  }
0xae: {  	[hbm4b:s0+s2] =	stream.linear.scatter [tilespmem:s12], [sflag:$0x6], $0x8000, $0x38;
	[tilespmem:$0x1B400] =	vst v63  }
0xaf: {  	_ =	swait.ge [sflag:s11], $0x8000  }
0xb0: {  	[sflag:s11] =	ssyncset.done $0x0  }
0xb1: {  	[sflag:s11] =	ssyncadd.s32 $0xFFFF8000  }
0xb2: {  	[tilespmem:s12], [sflag:$0x3] =	stream.indirect.gather [hbm4b:s3+s15], $0x20, s25, s15, $0xb8;
	[tilespmem:$0x1B400] =	vst v63  }
0xb3: {  	_ =	swait.ge [sflag:s9], $0x8000  }
0xb4: {  	[sflag:s9] =	ssyncset.done $0x0  }
0xb5: {  	s0 =	rddreg [dreg:$0x8];
	[sflag:s9] =	ssyncadd.s32 $0xFFFF8000  }
0xb6: {  	[hbm4b:s0+s2] =	stream.linear.scatter [tilespmem:s7], [sflag:$0x4], $0x8000, $0x38;
	[tilespmem:$0x1B400] =	vst v63  }
0xb7: {  	_ =	swait.ge [sflag:s5], $0x8000  }
0xb8: {  	[sflag:s5] =	ssyncset.done $0x0  }
0xb9: {  	[sflag:s5] =	ssyncadd.s32 $0xFFFF8000  }
0xba: {  	[tilespmem:s7], [sflag:$0x1] =	stream.indirect.gather [hbm4b:s3+s15], $0x20, s24, s15, $0xb8;
	[tilespmem:$0x1B400] =	vst v63  }
0xbb: {  	_ =	swait.ge [sflag:s17], $0x8000  }
0xbc: {  	[sflag:s17] =	ssyncset.done $0x0  }
0xbd: {  	s0 =	rddreg [dreg:$0x9];
	[sflag:s17] =	ssyncadd.s32 $0xFFFF8000  }
0xbe: {  	[hbm4b:s0+s2] =	stream.linear.scatter [tilespmem:s14], [sflag:$0x5], $0x8000, $0x38;
	[tilespmem:$0x1B400] =	vst v63  }
0xbf: {  	_ =	swait.ge [sflag:s10], $0x8000  }
0xc0: {  	[sflag:s10] =	ssyncset.done $0x0  }
0xc1: {  	[sflag:s10] =	ssyncadd.s32 $0xFFFF8000  }
0xc2: {  	[tilespmem:s14], [sflag:$0x2] =	stream.indirect.gather [hbm4b:s3+s15], $0x20, s23, s15, $0xb8;
	[tilespmem:$0x1B400] =	vst v63  }
0xc3: {  	_ =	swait.ge [sflag:s16], $0x8000  }
0xc4: {  	[sflag:s16] =	ssyncset.done $0x0  }
0xc5: {  	s0 =	rddreg [dreg:$0xa];
	[sflag:s16] =	ssyncadd.s32 $0xFFFF8000  }
0xc6: {  	[hbm4b:s0+s2] =	stream.linear.scatter [tilespmem:s12], [sflag:$0x6], $0x8000, $0x38;
	[tilespmem:$0x1B400] =	vst v63  }
0xc7: {  	_ =	swait.ge [sflag:s11], $0x8000  }
0xc8: {  	[sflag:s11] =	ssyncset.done $0x0  }
0xc9: {  	[sflag:s11] =	ssyncadd.s32 $0xFFFF8000  }
0xca: {  	[tilespmem:s12], [sflag:$0x3] =	stream.indirect.gather [hbm4b:s3+s15], $0x20, s22, s15, $0xb8;
	[tilespmem:$0x1B400] =	vst v63  }
0xcb: {  	_ =	swait.ge [sflag:s9], $0x8000  }
0xcc: {  	[sflag:s9] =	ssyncset.done $0x0  }
0xcd: {  	s0 =	rddreg [dreg:$0xb];
	[sflag:s9] =	ssyncadd.s32 $0xFFFF8000  }
0xce: {  	[hbm4b:s0+s2] =	stream.linear.scatter [tilespmem:s7], [sflag:$0x4], $0x8000, $0x38;
	[tilespmem:$0x1B400] =	vst v63  }
0xcf: {  	_ =	swait.ge [sflag:s5], $0x8000  }
0xd0: {  	[sflag:s5] =	ssyncset.done $0x0  }
0xd1: {  	[sflag:s5] =	ssyncadd.s32 $0xFFFF8000  }
0xd2: {  	[tilespmem:s7], [sflag:$0x1] =	stream.indirect.gather [hbm4b:s3+s15], $0x20, s21, s15, $0xb8;
	[tilespmem:$0x1B400] =	vst v63  }
0xd3: {  	_ =	swait.ge [sflag:s17], $0x8000  }
0xd4: {  	[sflag:s17] =	ssyncset.done $0x0  }
0xd5: {  	s0 =	rddreg [dreg:$0xc];
	[sflag:s17] =	ssyncadd.s32 $0xFFFF8000  }
0xd6: {  	[hbm4b:s0+s2] =	stream.linear.scatter [tilespmem:s14], [sflag:$0x5], $0x8000, $0x38;
	[tilespmem:$0x1B400] =	vst v63  }
0xd7: {  	_ =	swait.ge [sflag:s10], $0x8000  }
0xd8: {  	[sflag:s10] =	ssyncset.done $0x0  }
0xd9: {  	[sflag:s10] =	ssyncadd.s32 $0xFFFF8000  }
0xda: {  	[tilespmem:s14], [sflag:$0x2] =	stream.indirect.gather [hbm4b:s3+s15], $0x20, s20, s15, $0xb8;
	[tilespmem:$0x1B400] =	vst v63  }
0xdb: {  	_ =	swait.ge [sflag:s16], $0x8000  }
0xdc: {  	[sflag:s16] =	ssyncset.done $0x0  }
0xdd: {  	s0 =	rddreg [dreg:$0xd];
	[sflag:s16] =	ssyncadd.s32 $0xFFFF8000  }
0xde: {  	[hbm4b:s0+s2] =	stream.linear.scatter [tilespmem:s12], [sflag:$0x6], $0x8000, $0x38;
	[tilespmem:$0x1B400] =	vst v63  }
0xdf: {  	_ =	swait.ge [sflag:s11], $0x8000  }
0xe0: {  	[sflag:s11] =	ssyncset.done $0x0  }
0xe1: {  	[sflag:s11] =	ssyncadd.s32 $0xFFFF8000  }
0xe2: {  	[tilespmem:s12], [sflag:$0x3] =	stream.indirect.gather [hbm4b:s3+s15], $0x20, s19, s15, $0xb8;
	[tilespmem:$0x1B400] =	vst v63  }
0xe3: {  	_ =	swait.ge [sflag:s9], $0x8000  }
0xe4: {  	[sflag:s9] =	ssyncset.done $0x0  }
0xe5: {  	[sflag:s9] =	ssyncadd.s32 $0xFFFF8000  }
0xe6: {  	[hbm4b:s13+s2] =	stream.linear.scatter [tilespmem:s7], [sflag:$0x4], $0x8000, $0x38;
	[tilespmem:$0x1B400] =	vst v63  }
0xe7: {  	_ =	swait.ge [sflag:s5], $0x8000  }
0xe8: {  	[sflag:s5] =	ssyncset.done $0x0  }
0xe9: {  	[sflag:s5] =	ssyncadd.s32 $0xFFFF8000  }
0xea: {  	[tilespmem:s7], [sflag:$0x1] =	stream.indirect.gather [hbm4b:s3+s15], $0x20, s18, s15, $0xb8;
	[tilespmem:$0x1B400] =	vst v63  }
0xeb: {  	_ =	swait.ge [sflag:s17], $0x8000  }
0xec: {  	[sflag:s17] =	ssyncset.done $0x0  }
0xed: {  	[sflag:s17] =	ssyncadd.s32 $0xFFFF8000  }
0xee: {  	[hbm4b:s8+s2] =	stream.linear.scatter [tilespmem:s14], [sflag:$0x5], $0x8000, $0x38;
	[tilespmem:$0x1B400] =	vst v63  }
0xef: {  	_ =	swait.ge [sflag:s16], $0x8000  }
0xf0: {  	[sflag:s16] =	ssyncset.done $0x0  }
0xf1: {  	[sflag:s16] =	ssyncadd.s32 $0xFFFF8000  }
0xf2: {  	[hbm4b:s6+s2] =	stream.linear.scatter [tilespmem:s12], [sflag:$0x6], $0x8000, $0x38;
	[tilespmem:$0x1B400] =	vst v63  }
0xf3: {  	_ =	swait.ge [sflag:s9], $0x8000  }
0xf4: {  	[sflag:s9] =	ssyncset.done $0x0  }
0xf5: {  	[sflag:s9] =	ssyncadd.s32 $0xFFFF8000  }
0xf6: {  	[hbm4b:s4+s2] =	stream.linear.scatter [tilespmem:s7], [sflag:$0x4], $0x8000, $0x38;
	[tilespmem:$0x1B400] =	vst v63  }
0xf7: {  	_ =	swait.ge [sflag:s10], $0x8000  }
0xf8: {  	[sflag:s10] =	ssyncset.done $0x0  }
0xf9: {  	p1 =	sne.s32 s1, $0x1;
	[sflag:s10] =	ssyncadd.s32 $0xFFFF8000  }
.Ltmp2:
0xfa: {  	_ =	swait.ge [sflag:s11], $0x8000;
	(pc) =	sbr.rel @p1 .LBB2_2-.Ltmp2, $4  }
0xfb: {  	[sflag:s11] =	ssyncset.done $0x0  }
0xfc: {  	[sflag:s11] =	ssyncadd.s32 $0xFFFF8000  }
0xfd: {  	_ =	swait.ge [sflag:s5], $0x8000  }
0xfe: {  	s1 =	sadd.s32 $0xFFFFFFFF, s1;
	s0 =	rddreg [dreg:$0x3];
	[sflag:s5] =	ssyncset.done $0x0  }
.LBB2_3:
0xff: {  	[sflag:s5] =	ssyncadd.s32 @p0 $0xFFFF8000  }
0x100: {  	[tilespmem:s2], [sflag:$0x8] =	stream.linear.gather [hbm4b:s0+s2], $0x400, $0x38;
	[tilespmem:$0x1B400] =	vst v63  }
0x101: {  	_ =	swait.ge [sflag:s31], $0x400  }
0x102: {  	[sflag:s31] =	ssyncset.done $0x0  }
0x103: {  	s1 =	rddreg [dreg:$0x4];
	[sflag:s31] =	ssyncadd.s32 $0xFFFFFC00  }
0x104: {  	[tilespmem:s15], [sflag:$0x7] =	stream.linear.gather [hbm4b:s1+s2], $0x3000, $0x38;
	[tilespmem:$0x1B400] =	vst v63  }
0x105: {  	_ = 	snop  }
0x106: {  	[tilespmem:s7], [sflag:$0x1] =	stream.indirect.gather [hbm4b:s3+s15], $0x20, s2, s15, $0xb8;
	[tilespmem:$0x1B400] =	vst v63  }
0x107: {  	_ =	swait.ge [sflag:s29], $0x3000  }
0x108: {  	[sflag:s29] =	ssyncset.done $0x0  }
0x109: {  	[sflag:s29] =	ssyncadd.s32 $0xFFFFD000  }
0x10a: {  	[tilespmem:s14], [sflag:$0x2] =	stream.indirect.gather [hbm4b:s3+s15], $0x20, s15, s15, $0xb8;
	[tilespmem:$0x1B400] =	vst v63  }
0x10b: {  	_ = 	snop  }
0x10c: {  	[tilespmem:s12], [sflag:$0x3] =	stream.indirect.gather [hbm4b:s3+s15], $0x20, s30, s15, $0xb8;
	[tilespmem:$0x1B400] =	vst v63  }
0x10d: {  	_ =	swait.ge [sflag:s9], $0x8000  }
0x10e: {  	[sflag:s9] =	ssyncset.done $0x0  }
0x10f: {  	s29 =	rddreg [dreg:$0x5];
	[sflag:s9] =	ssyncadd.s32 $0xFFFF8000  }
0x110: {  	[hbm4b:s29+s2] =	stream.linear.scatter [tilespmem:s7], [sflag:$0x4], $0x8000, $0x38;
	[tilespmem:$0x1B400] =	vst v63  }
0x111: {  	_ =	swait.ge [sflag:s5], $0x8000  }
0x112: {  	[sflag:s5] =	ssyncset.done $0x0  }
0x113: {  	[sflag:s5] =	ssyncadd.s32 $0xFFFF8000  }
0x114: {  	[tilespmem:s7], [sflag:$0x1] =	stream.indirect.gather [hbm4b:s3+s15], $0x20, s28, s15, $0xb8;
	[tilespmem:$0x1B400] =	vst v63  }
0x115: {  	_ =	swait.ge [sflag:s17], $0x8000  }
0x116: {  	[sflag:s17] =	ssyncset.done $0x0  }
0x117: {  	s30 =	rddreg [dreg:$0x6];
	[sflag:s17] =	ssyncadd.s32 $0xFFFF8000  }
0x118: {  	[hbm4b:s30+s2] =	stream.linear.scatter [tilespmem:s14], [sflag:$0x5], $0x8000, $0x38;
	[tilespmem:$0x1B400] =	vst v63  }
0x119: {  	_ =	swait.ge [sflag:s10], $0x8000  }
0x11a: {  	[sflag:s10] =	ssyncset.done $0x0  }
0x11b: {  	[sflag:s10] =	ssyncadd.s32 $0xFFFF8000  }
0x11c: {  	[tilespmem:s14], [sflag:$0x2] =	stream.indirect.gather [hbm4b:s3+s15], $0x20, s26, s15, $0xb8;
	[tilespmem:$0x1B400] =	vst v63  }
0x11d: {  	_ =	swait.ge [sflag:s16], $0x8000  }
0x11e: {  	[sflag:s16] =	ssyncset.done $0x0  }
0x11f: {  	s31 =	rddreg [dreg:$0x7];
	[sflag:s16] =	ssyncadd.s32 $0xFFFF8000  }
0x120: {  	[hbm4b:s31+s2] =	stream.linear.scatter [tilespmem:s12], [sflag:$0x6], $0x8000, $0x38;
	[tilespmem:$0x1B400] =	vst v63  }
0x121: {  	_ =	swait.ge [sflag:s11], $0x8000  }
0x122: {  	[sflag:s11] =	ssyncset.done $0x0  }
0x123: {  	[sflag:s11] =	ssyncadd.s32 $0xFFFF8000  }
0x124: {  	[tilespmem:s12], [sflag:$0x3] =	stream.indirect.gather [hbm4b:s3+s15], $0x20, s25, s15, $0xb8;
	[tilespmem:$0x1B400] =	vst v63  }
0x125: {  	_ =	swait.ge [sflag:s9], $0x8000  }
0x126: {  	[sflag:s9] =	ssyncset.done $0x0  }
0x127: {  	s1 =	rddreg [dreg:$0x8];
	[sflag:s9] =	ssyncadd.s32 $0xFFFF8000  }
0x128: {  	[hbm4b:s1+s2] =	stream.linear.scatter [tilespmem:s7], [sflag:$0x4], $0x8000, $0x38;
	[tilespmem:$0x1B400] =	vst v63  }
0x129: {  	_ =	swait.ge [sflag:s5], $0x8000  }
0x12a: {  	[sflag:s5] =	ssyncset.done $0x0  }
0x12b: {  	[sflag:s5] =	ssyncadd.s32 $0xFFFF8000  }
0x12c: {  	[tilespmem:s7], [sflag:$0x1] =	stream.indirect.gather [hbm4b:s3+s15], $0x20, s24, s15, $0xb8;
	[tilespmem:$0x1B400] =	vst v63  }
0x12d: {  	_ =	swait.ge [sflag:s17], $0x8000  }
0x12e: {  	[sflag:s17] =	ssyncset.done $0x0  }
0x12f: {  	s25 =	rddreg [dreg:$0x9];
	[sflag:s17] =	ssyncadd.s32 $0xFFFF8000  }
0x130: {  	[hbm4b:s25+s2] =	stream.linear.scatter [tilespmem:s14], [sflag:$0x5], $0x8000, $0x38;
	[tilespmem:$0x1B400] =	vst v63  }
0x131: {  	_ =	swait.ge [sflag:s10], $0x8000  }
0x132: {  	[sflag:s10] =	ssyncset.done $0x0  }
0x133: {  	[sflag:s10] =	ssyncadd.s32 $0xFFFF8000  }
0x134: {  	[tilespmem:s14], [sflag:$0x2] =	stream.indirect.gather [hbm4b:s3+s15], $0x20, s23, s15, $0xb8;
	[tilespmem:$0x1B400] =	vst v63  }
0x135: {  	_ =	swait.ge [sflag:s16], $0x8000  }
0x136: {  	[sflag:s16] =	ssyncset.done $0x0  }
0x137: {  	s26 =	rddreg [dreg:$0xa];
	[sflag:s16] =	ssyncadd.s32 $0xFFFF8000  }
0x138: {  	[hbm4b:s26+s2] =	stream.linear.scatter [tilespmem:s12], [sflag:$0x6], $0x8000, $0x38;
	[tilespmem:$0x1B400] =	vst v63  }
0x139: {  	_ =	swait.ge [sflag:s11], $0x8000  }
0x13a: {  	[sflag:s11] =	ssyncset.done $0x0  }
0x13b: {  	[sflag:s11] =	ssyncadd.s32 $0xFFFF8000  }
0x13c: {  	[tilespmem:s12], [sflag:$0x3] =	stream.indirect.gather [hbm4b:s3+s15], $0x20, s22, s15, $0xb8;
	[tilespmem:$0x1B400] =	vst v63  }
0x13d: {  	_ =	swait.ge [sflag:s9], $0x8000  }
0x13e: {  	[sflag:s9] =	ssyncset.done $0x0  }
0x13f: {  	s28 =	rddreg [dreg:$0xb];
	[sflag:s9] =	ssyncadd.s32 $0xFFFF8000  }
0x140: {  	[hbm4b:s28+s2] =	stream.linear.scatter [tilespmem:s7], [sflag:$0x4], $0x8000, $0x38;
	[tilespmem:$0x1B400] =	vst v63  }
0x141: {  	_ =	swait.ge [sflag:s5], $0x8000  }
0x142: {  	[sflag:s5] =	ssyncset.done $0x0  }
0x143: {  	[sflag:s5] =	ssyncadd.s32 $0xFFFF8000  }
0x144: {  	[tilespmem:s7], [sflag:$0x1] =	stream.indirect.gather [hbm4b:s3+s15], $0x20, s21, s15, $0xb8;
	[tilespmem:$0x1B400] =	vst v63  }
0x145: {  	_ =	swait.ge [sflag:s17], $0x8000  }
0x146: {  	[sflag:s17] =	ssyncset.done $0x0  }
0x147: {  	s29 =	rddreg [dreg:$0xc];
	[sflag:s17] =	ssyncadd.s32 $0xFFFF8000  }
0x148: {  	[hbm4b:s29+s2] =	stream.linear.scatter [tilespmem:s14], [sflag:$0x5], $0x8000, $0x38;
	[tilespmem:$0x1B400] =	vst v63  }
0x149: {  	_ =	swait.ge [sflag:s10], $0x8000  }
0x14a: {  	[sflag:s10] =	ssyncset.done $0x0  }
0x14b: {  	[sflag:s10] =	ssyncadd.s32 $0xFFFF8000  }
0x14c: {  	[tilespmem:s14], [sflag:$0x2] =	stream.indirect.gather [hbm4b:s3+s15], $0x20, s20, s15, $0xb8;
	[tilespmem:$0x1B400] =	vst v63  }
0x14d: {  	_ =	swait.ge [sflag:s16], $0x8000  }
0x14e: {  	[sflag:s16] =	ssyncset.done $0x0  }
0x14f: {  	s30 =	rddreg [dreg:$0xd];
	[sflag:s16] =	ssyncadd.s32 $0xFFFF8000  }
0x150: {  	[hbm4b:s30+s2] =	stream.linear.scatter [tilespmem:s12], [sflag:$0x6], $0x8000, $0x38;
	[tilespmem:$0x1B400] =	vst v63  }
0x151: {  	_ =	swait.ge [sflag:s11], $0x8000  }
0x152: {  	[sflag:s11] =	ssyncset.done $0x0  }
0x153: {  	[sflag:s11] =	ssyncadd.s32 $0xFFFF8000  }
0x154: {  	[tilespmem:s12], [sflag:$0x3] =	stream.indirect.gather [hbm4b:s3+s15], $0x20, s19, s15, $0xb8;
	[tilespmem:$0x1B400] =	vst v63  }
0x155: {  	_ =	swait.ge [sflag:s9], $0x8000  }
0x156: {  	[sflag:s9] =	ssyncset.done $0x0  }
0x157: {  	[sflag:s9] =	ssyncadd.s32 $0xFFFF8000  }
0x158: {  	[hbm4b:s13+s2] =	stream.linear.scatter [tilespmem:s7], [sflag:$0x4], $0x8000, $0x38;
	[tilespmem:$0x1B400] =	vst v63  }
0x159: {  	_ =	swait.ge [sflag:s5], $0x8000  }
0x15a: {  	[sflag:s5] =	ssyncset.done $0x0  }
0x15b: {  	[sflag:s5] =	ssyncadd.s32 $0xFFFF8000  }
0x15c: {  	[tilespmem:s7], [sflag:$0x1] =	stream.indirect.gather [hbm4b:s3+s15], $0x20, s18, s15, $0xb8;
	[tilespmem:$0x1B400] =	vst v63  }
0x15d: {  	_ =	swait.ge [sflag:s17], $0x8000  }
0x15e: {  	[sflag:s17] =	ssyncset.done $0x0  }
0x15f: {  	[sflag:s17] =	ssyncadd.s32 $0xFFFF8000  }
0x160: {  	[hbm4b:s8+s2] =	stream.linear.scatter [tilespmem:s14], [sflag:$0x5], $0x8000, $0x38;
	[tilespmem:$0x1B400] =	vst v63  }
0x161: {  	_ =	swait.ge [sflag:s16], $0x8000  }
0x162: {  	[sflag:s16] =	ssyncset.done $0x0  }
0x163: {  	[sflag:s16] =	ssyncadd.s32 $0xFFFF8000  }
0x164: {  	[hbm4b:s6+s2] =	stream.linear.scatter [tilespmem:s12], [sflag:$0x6], $0x8000, $0x38;
	[tilespmem:$0x1B400] =	vst v63  }
0x165: {  	_ =	swait.ge [sflag:s9], $0x8000  }
0x166: {  	[sflag:s9] =	ssyncset.done $0x0  }
0x167: {  	[sflag:s9] =	ssyncadd.s32 $0xFFFF8000  }
0x168: {  	[hbm4b:s4+s2] =	stream.linear.scatter [tilespmem:s7], [sflag:$0x4], $0x8000, $0x38;
	[tilespmem:$0x1B400] =	vst v63  }
0x169: {  	_ =	swait.ge [sflag:s10], $0x8000  }
0x16a: {  	[sflag:s10] =	ssyncset.done $0x0  }
0x16b: {  	[sflag:s10] =	ssyncadd.s32 $0xFFFF8000  }
0x16c: {  	_ =	swait.ge [sflag:s11], $0x8000  }
0x16d: {  	[sflag:s11] =	ssyncset.done $0x0  }
0x16e: {  	[sflag:s11] =	ssyncadd.s32 $0xFFFF8000  }
0x16f: {  	_ =	swait.ge [sflag:s5], $0x8000  }
0x170: {  	[sflag:s5] =	ssyncset.done $0x0  }
0x171: {  	[sflag:s5] =	ssyncadd.s32 $0xFFFF8000  }
0x172: {  	_ =	sfence.sel $0x180000  }
0x173: {  	[bflag:$0x0] =	sbarrier.arrive $0xFFFF  }
0x174: {  	_ =	strace $0x90000047  }
0x175: {  	s31 =	stileid.u32;
	[bflag:$0x2] =	sbarrier.arrive $0xFFFF  }
0x176: {  	p0 =	sne.s32 s31, $0x0;
	s0 =	rddreg [dreg:$0x2]  }
0x177: {  	s0 =	sadd.s32 @!p0 $0x100000, s0  }
0x178: {  	[sflag:s0] =	ssyncadd.tile.s32 @!p0 $0x1;
	_ =	shalt  }
.Lfunc_end2:
_tile_overlayer_lowered:
.L_overlay_start_2:
0x179: {  	(tag) =	ssettag $0x2  }
0x17a: {  	s0 =	rddreg [dreg:$0x0];
	s2 =	stileid.u32  }
0x17b: {  	s1 =	rddreg [dreg:$0x1];
	p0 =	sne.s32 s2, $0x0  }
0x17c: {  	s3 =	rddreg [dreg:$0x2];
	[bflag:$0x3] =	sbarrier.arrive $0xFFFF;
	s2 =	simm.s32 @!p0 $0x1C08  }
0x17d: {  	[timem:s3], [sflag:s2] =	dma.local @!p0 [hbm:s0], s1  }
0x17e: {  	s0 =	simm.s32 @!p0 $0x8  }
0x17f: {  	_ =	swait.ge @!p0 [sflag:s0], s1  }
0x180: {  	s1 =	ssub.s32 @!p0 $0x0, s1;
	[sflag:s0] =	ssyncset.done @!p0 $0x0  }
0x181: {  	[sflag:s0] =	ssyncadd.s32 @!p0 s1  }
0x182: {  	[bflag:$0x3] =	sbarrier.arrive $0xFFFF  }
0x183: {  	_ =	shalt  }

// kernel: sparse-core-data-format-call.cloned.1.call-start
scs
called_computation_lowered:
.L_overlay_start_0:
0x0: {  	s2 =	sld [smem:$0x3FD9]  }
0x1: {  	s3 =	sld [smem:$0x3FFE];
	_ =	sdelay $0x1  }
0x2: {  	s1 =	srdreg.scid  }
0x3: {  	s0 =	sand.u32 $0x1, s1  }
0x4: {  	s18 =	sshll.u32 s0, $0xA;
	s2 =	sadd.s32 s3, s2  }
0x5: {  	s2 =	sadd.s32 s2, s18  }
0x6: {  	[smem:$0x3FC6] =	sst s2  }
0x7: {  	_ = 	snop  }
0x8: {  	s2 =	sld [smem:$0x3FD0];
	(tm) =	ssettm $0x1  }
0x9: {  	s19 =	sld [smem:$0x3FFB];
	_ =	sdelay $0x3  }
0xa: {  	_ =	strace s19  }
0xb: {  	s3 =	sld [smem:$0x3FFC];
	_ =	sdelay $0x3  }
0xc: {  	_ =	strace s3  }
0xd: {  	s3 =	sld [smem:$0x3FFD];
	_ =	sdelay $0x3  }
0xe: {  	_ =	strace s3  }
0xf: {  	_ =	strace $0x8FFFFFFF  }
0x10: {  	s20 =	sld [smem:$0x3FDB];
	_ =	sdelay $0x1  }
0x11: {  	s4 =	simm.s32 $_scs_section_size  }
0x12: {  	s5 =	simm.s32 $_size__tile_overlayer_lowered;
	s6 =	simm.s32 $_tile_overlayer_lowered  }
0x13: {  	s23 =	simm.s32 $0x1BFF;
	s22 =	sshll.u32 s6, $0x1;
	s3 =	sadd.s32 s4, s20  }
0x14: {  	s7 =	simm.s32 $0x0;
	s21 =	sshll.u32 s5, $0x1;
	s5 =	sadd.s32 s22, s3  }
0x15: {  	[timem:s7], [sflag:s23] =	dma.local [hbm:s5], s21  }
0x16: {  	_ =	swait.ge [sflag:s23], s21  }
0x17: {  	s4 =	ssub.s32 $0x0, s21;
	[sflag:s23] =	ssyncset.done $0x0  }
0x18: {  	[sflag:s23] =	ssyncadd.s32 s4;
	_ =	sdelay $0x1  }
0x19: {  	s24 =	simm.s32 $0x1B8B  }
0x1a: {  	_ =	swait.ge [sflag:s24], $0x1  }
0x1b: {  	[sflag:s24] =	ssyncset.done $0x0  }
0x1c: {  	s26 =	simm.s32 $0x1B8E;
	s25 =	sld [smem:$0x3FFE];
	[sflag:s24] =	ssyncadd.s32 $0xFFFFFFFF  }
0x1d: {  	s27 =	simm.s32 $execute0_lowered;
	[smem:$0x3FD2] =	sst s26  }
0x1e: {  	s5 =	sshll.u32 s27, $0x1;
	_ =	strace $0x80000049;
	[dreg:$0x1] =	wrdreg $0xFFFFFFFF  }
0x1f: {  	s28 =	simm.s32 $_size_execute0_lowered;
	s3 =	sadd.s32 s3, s5;
	[dreg:$0x0] =	wrdreg $0x0  }
0x20: {  	s5 =	sshll.u32 s28, $0x1;
	[dreg:$0x2] =	wrdreg s3  }
0x21: {  	[dreg:$0x3] =	wrdreg s5  }
0x22: {  	[dreg:$0x4] =	wrdreg $0xC0  }
0x23: {  	_ =	task [dreg:s7], $0x5FFFF  }
0x24: {  	[dreg:$0x1] =	wrdreg $0xFFFFFFFF  }
0x25: {  	[dreg:$0x0] =	wrdreg $0x60  }
0x26: {  	[dreg:$0x2] =	wrdreg s25  }
0x27: {  	[dreg:$0x3] =	wrdreg s2  }
0x28: {  	[dreg:$0x4] =	wrdreg $0x9  }
0x29: {  	_ =	task.clear_ibuf [dreg:s7], $0x5FFFF;
	_ =	strace $0x90000049  }
0x2a: {  	s29 =	simm.s32 $0x9;
	_ =	strace $0x8000004B  }
0x2b: {  	_ =	swait.ge [sflag:s29], $0x1  }
0x2c: {  	[sflag:s29] =	ssyncadd.s32 $0xFFFFFFFF  }
0x2d: {  	_ =	strace $0x9000004B  }
0x2e: {  	_ =	sfence  }
0x2f: {  	s30 =	sld [smem:$0x0];
	_ =	sdelay $0x2  }
0x30: {  	s31 =	sshll.u32 s1, $0xD;
	s1 =	sshrl.u32 s1, $0x2  }
0x31: {  	s3 =	sand.u32 $0x4000, s31;
	s1 =	sadd.s32 s1, s30  }
0x32: {  	s0 =	sor.u32 s3, s0;
	s1 =	sshll.u32 s1, $0x11  }
0x33: {  	s0 =	sor.u32 s1, s0  }
0x34: {  	s0 =	sadd.s32 $0x8F2B, s0  }
0x35: {  	[sflag:s0] =	ssyncadd.remote.s32 $0x1  }
0x36: {  	_ =	sfence.sel $0xFFFF  }
0x37: {  	[dreg:$0x0] =	wrdreg $0xFFFFFFFF;
	(pc) =	sbr.abs _section_cstart, $3  }
0x38: {  	[dreg:$0x1] =	wrdreg $0xFFFFFFFF  }
0x39: {  	_ =	task.clear_ibuf [dreg:s7], $0x2FFFF;
	_ =	strace $0x9FFFFFFF  }
0x3a: {  	(tm) =	ssettm $0x7FFFFFFF  }
0x3b: {  	_ =	shalt  }
tec
execute0_lowered:
.L_overlay_start_1:
0x0: {  	(tag) =	ssettag $0x1  }
0x1: {  	s0 =	srdreg.scid  }
0x2: {  	s1 =	sshll.u32 s0, $0x4  }
0x3: {  	s0 =	stileid.u32;
	s1 =	sand.u32 $0x10, s1  }
0x4: {  	s1 =	sor.u32 s0, s1  }
0x5: {  	s6 =	rddreg [dreg:$0x0];
	s4 =	simm.s32 $0x1;
	s2 =	sshll.u32 s1, $0x7  }
0x6: {  	s7 =	simm.s32 $0x2;
	s12 =	simm.s32 $0x0;
	s1 =	ssub.s32 $0x4000, s2  }
0x7: {  	s8 =	simm.s32 $0x20000;
	s13 =	simm.s32 $0x0;
	s3 =	sand.u32 $0xF80, s1  }
0x8: {  	s9 =	simm.s32 $0x0;
	s5 =	sshrl.u32 s1, $0xC;
	p0 =	sne.s32 s3, $0x0  }
.Ltmp0:
0x9: {  	s1 =	rddreg [dreg:$0x2];
	s4 =	simm.s32 @!p0 $0x0;
	(pc) =	sbr.rel .LBB1_1-.Ltmp0, $4  }
0xa: {  	s11 =	simm.s32 $0x0;
	s3 =	rddreg [dreg:$0x1];
	s5 =	sadd.s32 s4, s5  }
0xb: {  	_ =	strace $0x8000004A;
	s4 =	simm.s32 $0x1;
	s5 =	smul.u32 $0x1A, s5  }
0xc: {  	s6 =	sadd.s32 $0xA00, s6;
	s10 =	smov.u32 s2;
	[sflag:s4] =	ssyncpa.u1 $0x0  }
0xd: {  	p0 =	por $0x0, $0x0;
	[sflag:s7] =	ssyncpa.u1 $0x0;
	s7 =	sor.u32 $0x1, s5  }
.LBB1_4:
0xe: {  	s16 =	sshll.u32 s13, $0x3;
	s17 =	sand.u32 $0x78, s13  }
0xf: {  	s30 =	sand.u32 $0xF800, s13;
	s12 =	sshll.u32 s12, $0x10;
	s16 =	sand.u32 $0x3C00, s16  }
0x10: {  	s31 =	sand.u32 $0x7, s13;
	s16 =	sor.u32 s17, s16;
	s17 =	sadd.s32 s3, s30  }
0x11: {  	s13 =	sshll.u32 s31, $0x12;
	s16 =	sshrl.u32 s16, $0x3;
	s12 =	sadd.s32 s12, s17  }
0x12: {  	[tilespmem:s15+$0x0 ss:$0x81] =	vst.msk $0xffff, v0;
	s13 =	sor.u32 $0x400, s13;
	s12 =	sadd.s32 s16, s12  }
0x13: {  	[hbm4b:s12+s13] =	stream.strided.scatter [tilespmem:s14], [sflag:$0x2], $0x1000, s8, s13, $0x20;
	[tilespmem:$0x4040] =	vst v63  }
.LBB1_5:
0x14: {  	s14 =	sadd.s32 $0x1, s9  }
0x15: {  	s12 =	sadd.s32 $0x1000, s10;
	s16 =	smov.u32 s10;
	p2 =	sgt.s32 s14, $0x19  }
0x16: {  	s16 =	smov.u32 @p2 s12  }
0x17: {  	s14 =	simm.s32 @p2 $0x0;
	p2 =	sgt.s32 s16, $0x3FFF  }
0x18: {  	s16 =	smov.u32 @p2 s2;
	p2 =	sne.s32 s11, s7  }
.Ltmp1:
0x19: {  	p1 =	slt.u32 s11, $0x2;
	(pc) =	sbr.rel @!p2 .LBB1_6-.Ltmp1, $4  }
0x1a: {  	s15 =	simm.s32 @!p1 $0x2  }
0x1b: {  	s13 =	smov.u32 s10;
	p0 =	por !p0, !p0;
	_ =	swait.ge @!p1 [sflag:s15], $0x1000  }
0x1c: {  	s12 =	smov.u32 s9;
	[sflag:s15] =	ssyncset.done @!p1 $0x0;
	s9 =	smov.u32 s14  }
0x1d: {  	s11 =	sadd.s32 $0x1, s11;
	[sflag:s15] =	ssyncadd.s32 @!p1 $0xFFFFF000;
	s10 =	smov.u32 s16  }
.LBB1_1:
0x1e: {  	p1 =	sge.u32 s11, s5  }
0x1f: {  	s31 =	sadd.s32 $0xFFFFFFFF, s11;
	s14 =	sxor.u32 @!p1 $0xFFFFFFFF, s11  }
0x20: {  	s15 =	sshll.u32 @!p1 s10, $0x9;
	s16 =	sshll.u32 @!p1 s9, $0x4;
	s17 =	simm.s32 @!p1 $0x1000  }
0x21: {  	s14 =	sshll.u32 @!p1 s14, $0xC;
	s16 =	sand.u32 @!p1 $0x1F0, s16;
	s15 =	sadd.s32 @!p1 s6, s15  }
0x22: {  	s14 =	sand.u32 @!p1 $0x1000, s14;
	s15 =	sadd.s32 @!p1 s16, s15;
	s16 =	simm.s32 @!p1 $0x20  }
0x23: {  	[tilespmem:s14], [sflag:$0x1] =	stream.strided.gather @!p1 [hbm4b:s15+s16], $0x1000, s17, s16, $0x38;
	[tilespmem:$0x4040] =	vst v63  }
0x24: {  	p1 =	sge.u32 s31, s5  }
.Ltmp2:
0x25: {  	_ = 	snop;
	(pc) =	sbr.rel @p1 .LBB1_5-.Ltmp2, $1  }
0x26: {  	_ =	sdelay $0x3  }
0x27: {  	s14 =	simm.s32 $0x1  }
0x28: {  	_ =	swait.ge [sflag:s4], $0x1000;
	s14 =	simm.s32 @!p0 $0x0  }
0x29: {  	[sflag:s4] =	ssyncset.done $0x0;
	s15 =	sshll.u32 s14, $0xC  }
0x2a: {  	[sflag:s4] =	ssyncadd.s32 $0xFFFFF000;
	s18 =	sor.u32 $0x10, s15  }
0x2b: {  	s14 =	smul.u32 $0x4080, s14;
	v1 =	vld [tilespmem:s18+$0x0]  }
0x2c: {  	s30 =	sand.u32 $0x1, s11;
	v0 =	vld [tilespmem:s18+$0xFFFFFFF0]  }
0x2d: {  	s15 =	smul.u32 $0x4080, s30;
	s14 =	sshrl.u32 s14, $0x2  }
0x2e: {  	s16 =	sor.u32 $0x2000, s14  }
0x2f: {  	s31 =	sshrl.u32 s15, $0x2;
	s15 =	sadd.s32 $0x0, s16  }
0x30: {  	s17 =	simm.s32 $0x4;
	s18 =	sadd.s32 $0x20, s18;
	s14 =	sor.u32 $0x2000, s31;
	[tilespmem:s15+$0x810 ss:$0x81] =	vst.msk $0xffff, v1  }
.LBB1_3:
0x31: {  	v1 =	vld [tilespmem:s18+$0x0];
	p1 =	sne.s32 s17, $0x1FC;
	[tilespmem:s15+$0x0 ss:$0x81] =	vst.msk $0xffff, v0;
	s15 =	smov.u32 s17;
	s17 =	sadd.s32 $0x4, s17  }
.Ltmp3:
0x32: {  	v0 =	vld [tilespmem:s18+$0xFFFFFFF0];
	(pc) =	sbr.rel @p1 .LBB1_3-.Ltmp3, $4  }
0x33: {  	_ = 	snop  }
0x34: {  	s15 =	sshra.s32 s15, $0x2  }
0x35: {  	s15 =	sadd.s32 s15, s16  }
0x36: {  	s18 =	sadd.s32 $0x20, s18;
	[tilespmem:s15+$0x810 ss:$0x81] =	vst.msk $0xffff, v1  }
.Ltmp4:
0x37: {  	_ = 	snop;
	(pc) =	sbr.rel .LBB1_4-.Ltmp4, $1  }
0x38: {  	_ =	sdelay $0x3  }
.LBB1_6:
0x39: {  	_ =	sfence.sel $0x180000  }
0x3a: {  	s2 =	simm.s32 $0x1;
	[bflag:$0x0] =	sbarrier.arrive $0xFFFF  }
0x3b: {  	s31 =	simm.s32 $0x2;
	[sflag:s2] =	ssyncpa.u1 $0x1  }
0x3c: {  	[sflag:s31] =	ssyncpa.u1 $0x1  }
0x3d: {  	p0 =	sne.s32 s0, $0x0;
	_ =	strace $0x9000004A  }
0x3e: {  	s0 =	sadd.s32 @!p0 $0x100000, s1;
	[bflag:$0x2] =	sbarrier.arrive $0xFFFF  }
0x3f: {  	[sflag:s0] =	ssyncadd.tile.s32 @!p0 $0x1;
	_ =	shalt  }
.Lfunc_end1:
_tile_overlayer_lowered:
.L_overlay_start_2:
0x40: {  	(tag) =	ssettag $0x2  }
0x41: {  	s0 =	rddreg [dreg:$0x0];
	s2 =	stileid.u32  }
0x42: {  	s1 =	rddreg [dreg:$0x1];
	p0 =	sne.s32 s2, $0x0  }
0x43: {  	s3 =	rddreg [dreg:$0x2];
	[bflag:$0x3] =	sbarrier.arrive $0xFFFF;
	s2 =	simm.s32 @!p0 $0x1C01  }
0x44: {  	[timem:s3], [sflag:s2] =	dma.local @!p0 [hbm:s0], s1  }
0x45: {  	s0 =	simm.s32 @!p0 $0x1  }
0x46: {  	_ =	swait.ge @!p0 [sflag:s0], s1  }
0x47: {  	s1 =	ssub.s32 @!p0 $0x0, s1;
	[sflag:s0] =	ssyncset.done @!p0 $0x0  }
0x48: {  	[sflag:s0] =	ssyncadd.s32 @!p0 s1  }
0x49: {  	[bflag:$0x3] =	sbarrier.arrive $0xFFFF  }
0x4a: {  	_ =	shalt  }

</sc_bundles>
